<compile_context>
chip_gen: v7x
topology: tpu7x:2x2x1
jax: 0.10.2.dev20260603
libtpu: 0.0.44.dev20260713+nightly
codegen_flags: <defaults>
</compile_context>

<pallas_src>
import functools

import jax
import jax.numpy as jnp
from jax import lax
from jax.experimental import pallas as pl
from jax.experimental.pallas import tpu as pltpu
from jax.experimental.pallas import tpu_sc as plsc

EMBED_DIM = 512
IDS_ROWS = 8
IDS_COLS = 1024
NUM_TOKENS = IDS_ROWS * IDS_COLS
NUM_WORKERS = 32
ROWS_PER_WORKER = NUM_TOKENS // NUM_WORKERS
WORKERS_PER_ROW = IDS_COLS // ROWS_PER_WORKER
CHUNK = 16
NUM_CHUNKS = ROWS_PER_WORKER // CHUNK
NUM_BUFS = 12
GDEPTH = 5

_mesh = plsc.VectorSubcoreMesh(core_axis_name="c", subcore_axis_name="s")


@functools.partial(
    pl.kernel,
    mesh=_mesh,
    out_type=(
        jax.ShapeDtypeStruct((NUM_TOKENS, EMBED_DIM), jnp.float32),
        jax.ShapeDtypeStruct((IDS_ROWS, IDS_COLS), jnp.float32),
    ),
    scratch_types=[
        pltpu.VMEM((ROWS_PER_WORKER,), jnp.int32),
        pltpu.VMEM((ROWS_PER_WORKER,), jnp.float32),
        *[pltpu.VMEM((CHUNK, EMBED_DIM), jnp.float32) for _ in range(NUM_BUFS)],
        *[pltpu.SemaphoreType.DMA for _ in range(2 * NUM_CHUNKS + 1)],
    ],
)
def _gather_kernel(idx_hbm, table_hbm, out_hbm, ones_hbm, idx_v, ones_v, *rest):
    bufs = rest[:NUM_BUFS]
    gsems = rest[NUM_BUFS:NUM_BUFS + NUM_CHUNKS]
    wsems = rest[NUM_BUFS + NUM_CHUNKS:NUM_BUFS + 2 * NUM_CHUNKS]
    osem = rest[NUM_BUFS + 2 * NUM_CHUNKS]

    wid = lax.axis_index("s") * 2 + lax.axis_index("c")
    base = wid * ROWS_PER_WORKER
    row = wid // WORKERS_PER_ROW
    col = (wid % WORKERS_PER_ROW) * ROWS_PER_WORKER
    pltpu.sync_copy(idx_hbm.at[row, pl.ds(col, ROWS_PER_WORKER)], idx_v)

    def gather(c):
        return pltpu.async_copy(
            table_hbm.at[idx_v.at[pl.ds(c * CHUNK, CHUNK)]],
            bufs[c % NUM_BUFS],
            gsems[c],
        )

    def write(c):
        return pltpu.async_copy(
            bufs[c % NUM_BUFS], out_hbm.at[pl.ds(base + c * CHUNK, CHUNK)], wsems[c]
        )

    gc = [None] * NUM_CHUNKS
    wc = [None] * NUM_CHUNKS
    w_done = [False] * NUM_CHUNKS
    for c in range(GDEPTH):
        gc[c] = gather(c)

    one16 = jnp.full((16,), 1.0, dtype=jnp.float32)
    for i in range(ROWS_PER_WORKER // 16):
        ones_v[pl.ds(i * 16, 16)] = one16
    ones_cp = pltpu.async_copy(
        ones_v, ones_hbm.at[row, pl.ds(col, ROWS_PER_WORKER)], osem
    )

    for c in range(NUM_CHUNKS):
        gc[c].wait()
        wc[c] = write(c)
        nxt = c + GDEPTH
        if nxt < NUM_CHUNKS:
            prev = nxt - NUM_BUFS
            if prev >= 0 and not w_done[prev]:
                wc[prev].wait()
                w_done[prev] = True
            gc[nxt] = gather(nxt)
    for c in range(NUM_CHUNKS):
        if not w_done[c]:
            wc[c].wait()
    ones_cp.wait()


def kernel(input_ids, table):
    ids = input_ids.astype(jnp.int32)
    flat, ones = _gather_kernel(ids, table)
    embedding = flat.reshape(IDS_ROWS, IDS_COLS, EMBED_DIM)
    return (ones, embedding)

# --- scband reference (transcript-rebuilt; emitter-appended) ---
"""Pipeline reference for scband-my-model-61933428416533 (READ-ONLY COPY).

The authoritative reference and input builder live on the scoring server;
editing this copy changes nothing except your own understanding.
"""

import jax, jax.numpy as jnp
import numpy as np

NUM_EMBEDDINGS = 32128
EMBED_DIM = 512

def setup_inputs(seed: int = 0) -> dict:
    key = jax.random.key(seed)
    k1, k2 = jax.random.split(key)
    input_ids = jax.random.randint(k1, (8, 1024), 0, NUM_EMBEDDINGS, dtype=jnp.int64)
    # nn.Embedding default init: N(0, 1)
    table = jax.random.normal(k2, (NUM_EMBEDDINGS, EMBED_DIM), dtype=jnp.float32)
    return {"input_ids": input_ids, "table": table}

def reference(input_ids, table):
    view = input_ids.reshape(-1, 1024)
    embedding = jnp.take(table, view, axis=0)
    ones = jnp.ones((8, 1024), dtype=jnp.float32)
    return (ones, embedding)

if __name__ == "__main__":
    import jax
    _d = setup_inputs()
    print(jax.jit(kernel)(*tuple(_d.values())))

</pallas_src>

<mosaic_0001>
#map = affine_map<(d0, d1) -> (0, 0)>
module attributes {stable_mosaic.version = 14 : i64} {
  func.func @_gather_kernel(%arg0: i32, %arg1: i32, %arg2: memref<8x1024xi32, #tpu.memory_space<hbm>>, %arg3: memref<32128x512xf32, #tpu.memory_space<hbm>>, %arg4: memref<8192x512xf32, #tpu.memory_space<hbm>>, %arg5: memref<8x1024xf32, #tpu.memory_space<hbm>>, %arg6: memref<256xi32, #tpu.memory_space<vmem>>, %arg7: memref<256xf32, #tpu.memory_space<vmem>>, %arg8: memref<16x512xf32, #tpu.memory_space<vmem>>, %arg9: memref<16x512xf32, #tpu.memory_space<vmem>>, %arg10: memref<16x512xf32, #tpu.memory_space<vmem>>, %arg11: memref<16x512xf32, #tpu.memory_space<vmem>>, %arg12: memref<16x512xf32, #tpu.memory_space<vmem>>, %arg13: memref<16x512xf32, #tpu.memory_space<vmem>>, %arg14: memref<16x512xf32, #tpu.memory_space<vmem>>, %arg15: memref<16x512xf32, #tpu.memory_space<vmem>>, %arg16: memref<16x512xf32, #tpu.memory_space<vmem>>, %arg17: memref<16x512xf32, #tpu.memory_space<vmem>>, %arg18: memref<16x512xf32, #tpu.memory_space<vmem>>, %arg19: memref<16x512xf32, #tpu.memory_space<vmem>>, %arg20: memref<!tpu.dma_semaphore, #tpu.memory_space<semaphore_mem>>, %arg21: memref<!tpu.dma_semaphore, #tpu.memory_space<semaphore_mem>>, %arg22: memref<!tpu.dma_semaphore, #tpu.memory_space<semaphore_mem>>, %arg23: memref<!tpu.dma_semaphore, #tpu.memory_space<semaphore_mem>>, %arg24: memref<!tpu.dma_semaphore, #tpu.memory_space<semaphore_mem>>, %arg25: memref<!tpu.dma_semaphore, #tpu.memory_space<semaphore_mem>>, %arg26: memref<!tpu.dma_semaphore, #tpu.memory_space<semaphore_mem>>, %arg27: memref<!tpu.dma_semaphore, #tpu.memory_space<semaphore_mem>>, %arg28: memref<!tpu.dma_semaphore, #tpu.memory_space<semaphore_mem>>, %arg29: memref<!tpu.dma_semaphore, #tpu.memory_space<semaphore_mem>>, %arg30: memref<!tpu.dma_semaphore, #tpu.memory_space<semaphore_mem>>, %arg31: memref<!tpu.dma_semaphore, #tpu.memory_space<semaphore_mem>>, %arg32: memref<!tpu.dma_semaphore, #tpu.memory_space<semaphore_mem>>, %arg33: memref<!tpu.dma_semaphore, #tpu.memory_space<semaphore_mem>>, %arg34: memref<!tpu.dma_semaphore, #tpu.memory_space<semaphore_mem>>, %arg35: memref<!tpu.dma_semaphore, #tpu.memory_space<semaphore_mem>>, %arg36: memref<!tpu.dma_semaphore, #tpu.memory_space<semaphore_mem>>, %arg37: memref<!tpu.dma_semaphore, #tpu.memory_space<semaphore_mem>>, %arg38: memref<!tpu.dma_semaphore, #tpu.memory_space<semaphore_mem>>, %arg39: memref<!tpu.dma_semaphore, #tpu.memory_space<semaphore_mem>>, %arg40: memref<!tpu.dma_semaphore, #tpu.memory_space<semaphore_mem>>, %arg41: memref<!tpu.dma_semaphore, #tpu.memory_space<semaphore_mem>>, %arg42: memref<!tpu.dma_semaphore, #tpu.memory_space<semaphore_mem>>, %arg43: memref<!tpu.dma_semaphore, #tpu.memory_space<semaphore_mem>>, %arg44: memref<!tpu.dma_semaphore, #tpu.memory_space<semaphore_mem>>, %arg45: memref<!tpu.dma_semaphore, #tpu.memory_space<semaphore_mem>>, %arg46: memref<!tpu.dma_semaphore, #tpu.memory_space<semaphore_mem>>, %arg47: memref<!tpu.dma_semaphore, #tpu.memory_space<semaphore_mem>>, %arg48: memref<!tpu.dma_semaphore, #tpu.memory_space<semaphore_mem>>, %arg49: memref<!tpu.dma_semaphore, #tpu.memory_space<semaphore_mem>>, %arg50: memref<!tpu.dma_semaphore, #tpu.memory_space<semaphore_mem>>, %arg51: memref<!tpu.dma_semaphore, #tpu.memory_space<semaphore_mem>>, %arg52: memref<!tpu.dma_semaphore, #tpu.memory_space<semaphore_mem>>) attributes {dimension_semantics = [#tpu.dimension_semantics<core_parallel>, #tpu.dimension_semantics<subcore_parallel>], iteration_bounds = array<i64: 2, 16>, scalar_prefetch = 0 : i64, scratch_operands = 47 : i64, tpu.core_type = #tpu.core_type<sc_vector_subcore>, window_params = [{transform_indices = #map}, {transform_indices = #map}, {transform_indices = #map}, {transform_indices = #map}]} {
    %mul3A = arith.constant 2 : i32
    %mul3A_0 = arith.muli %arg1, %mul3A : i32
    %add3A = arith.addi %mul3A_0, %arg0 : i32
    %mul3A_1 = arith.constant 256 : i32
    %mul3A_2 = arith.muli %add3A, %mul3A_1 : i32
    %jit3A = arith.constant 4 : i32
    %div3A = arith.divsi %add3A, %jit3A : i32
    %sign3A = arith.constant 0 : i32
    %sign3A_3 = arith.cmpi sgt, %add3A, %sign3A : i32
    %sign3A_4 = arith.extui %sign3A_3 : i1 to i32
    %sign3A_5 = arith.constant 0 : i32
    %sign3A_6 = arith.cmpi slt, %add3A, %sign3A_5 : i32
    %sign3A_7 = arith.extui %sign3A_6 : i1 to i32
    %sign3A_8 = arith.subi %sign3A_4, %sign3A_7 : i32
    %sign3A_9 = arith.constant 0 : i32
    %sign3A_10 = arith.cmpi sgt, %jit3A, %sign3A_9 : i32
    %sign3A_11 = arith.extui %sign3A_10 : i1 to i32
    %sign3A_12 = arith.constant 0 : i32
    %sign3A_13 = arith.cmpi slt, %jit3A, %sign3A_12 : i32
    %sign3A_14 = arith.extui %sign3A_13 : i1 to i32
    %sign3A_15 = arith.subi %sign3A_11, %sign3A_14 : i32
    %ne3A = arith.cmpi ne, %sign3A_8, %sign3A_15 : i32
    %rem3A = arith.remsi %add3A, %jit3A : i32
    %ne3A_16 = arith.constant 0 : i32
    %ne3A_17 = arith.cmpi ne, %rem3A, %ne3A_16 : i32
    %and3A = arith.andi %ne3A, %ne3A_17 : i1
    %sub3A = arith.constant 1 : i32
    %sub3A_18 = arith.subi %div3A, %sub3A : i32
    %select_n3A = arith.select %and3A, %sub3A_18, %div3A : i32
    %jit3A_19 = arith.constant 4 : i32
    %eq3A = arith.constant 0 : i32
    %eq3A_20 = arith.cmpi eq, %jit3A_19, %eq3A : i32
    %jit3A_21 = arith.constant 1 : i32
    %select_n3A_22 = arith.select %eq3A_20, %jit3A_21, %jit3A_19 : i32
    %rem3A_23 = arith.remsi %add3A, %select_n3A_22 : i32
    %ne3A_24 = arith.constant 0 : i32
    %ne3A_25 = arith.cmpi ne, %rem3A_23, %ne3A_24 : i32
    %lt3A = arith.constant 0 : i32
    %lt3A_26 = arith.cmpi slt, %rem3A_23, %lt3A : i32
    %lt3A_27 = arith.constant 0 : i32
    %lt3A_28 = arith.cmpi slt, %select_n3A_22, %lt3A_27 : i32
    %ne3A_29 = arith.xori %lt3A_26, %lt3A_28 : i1
    %and3A_30 = arith.andi %ne3A_29, %ne3A_25 : i1
    %add3A_31 = arith.addi %rem3A_23, %select_n3A_22 : i32
    %select_n3A_32 = arith.select %and3A_30, %add3A_31, %rem3A_23 : i32
    %mul3A_33 = arith.constant 256 : i32
    %mul3A_34 = arith.muli %select_n3A_32, %mul3A_33 : i32
    "tpu.region"() ({
      %run_scoped3A = tpu.sem_alloc : memref<!tpu.dma_semaphore, #tpu.memory_space<semaphore_mem>>
      %dma_start3A_425 = tpu.memref_slice %arg2[%select_n3A, %mul3A_34] : memref<8x1024xi32, #tpu.memory_space<hbm>> -> memref<1x256xi32, #tpu.memory_space<hbm>>
      %dma_start3A_426 = tpu.memref_squeeze %dma_start3A_425 : memref<1x256xi32, #tpu.memory_space<hbm>> -> memref<256xi32, #tpu.memory_space<hbm>>
      %dma_start3A_427 = tpu.memref_slice %arg2[%select_n3A, %mul3A_34] : memref<8x1024xi32, #tpu.memory_space<hbm>> -> memref<1x256xi32, #tpu.memory_space<hbm>>
      %dma_start3A_428 = tpu.memref_squeeze %dma_start3A_427 : memref<1x256xi32, #tpu.memory_space<hbm>> -> memref<256xi32, #tpu.memory_space<hbm>>
      tpu.enqueue_dma source(%dma_start3A_428 : memref<256xi32, #tpu.memory_space<hbm>>) target(%arg6 : memref<256xi32, #tpu.memory_space<vmem>>) target_semaphore(%run_scoped3A : memref<!tpu.dma_semaphore, #tpu.memory_space<semaphore_mem>>)
      %dma_wait3A_429 = tpu.memref_slice %arg2[%select_n3A, %mul3A_34] : memref<8x1024xi32, #tpu.memory_space<hbm>> -> memref<1x256xi32, #tpu.memory_space<hbm>>
      %dma_wait3A_430 = tpu.memref_squeeze %dma_wait3A_429 : memref<1x256xi32, #tpu.memory_space<hbm>> -> memref<256xi32, #tpu.memory_space<hbm>>
      %dma_wait3A_431 = tpu.memref_slice %arg2[%select_n3A, %mul3A_34] : memref<8x1024xi32, #tpu.memory_space<hbm>> -> memref<1x256xi32, #tpu.memory_space<hbm>>
      %dma_wait3A_432 = tpu.memref_squeeze %dma_wait3A_431 : memref<1x256xi32, #tpu.memory_space<hbm>> -> memref<256xi32, #tpu.memory_space<hbm>>
      tpu.wait_dma2 semaphore(%run_scoped3A : memref<!tpu.dma_semaphore, #tpu.memory_space<semaphore_mem>>) src(%dma_wait3A_432 : memref<256xi32, #tpu.memory_space<hbm>>) dst(%arg6 : memref<256xi32, #tpu.memory_space<vmem>>)
      tpu.yield
    }) : () -> ()
    %dma_start3A = arith.constant 0 : i32
    %dma_start3A_35 = tpu.memref_slice %arg6[%dma_start3A] : memref<256xi32, #tpu.memory_space<vmem>> -> memref<16xi32, #tpu.memory_space<vmem>>
    %dma_start3A_36 = arith.constant 0 : i32
    %dma_start3A_37 = arith.constant 0 : i32
    %dma_start3A_38 = tpu.memref_slice %arg3[%dma_start3A_36, %dma_start3A_37] : memref<32128x512xf32, #tpu.memory_space<hbm>> -> memref<32128x512xf32, #tpu.memory_space<hbm>>
    tpu.enqueue_indirect_dma source(%dma_start3A_38 : memref<32128x512xf32, #tpu.memory_space<hbm>>) target(%arg8 : memref<16x512xf32, #tpu.memory_space<vmem>>) offsets(%dma_start3A_35 : memref<16xi32, #tpu.memory_space<vmem>>) semaphore(%arg20 : memref<!tpu.dma_semaphore, #tpu.memory_space<semaphore_mem>>)
    %dma_start3A_39 = arith.constant 16 : i32
    %dma_start3A_40 = tpu.memref_slice %arg6[%dma_start3A_39] : memref<256xi32, #tpu.memory_space<vmem>> -> memref<16xi32, #tpu.memory_space<vmem>>
    %dma_start3A_41 = arith.constant 0 : i32
    %dma_start3A_42 = arith.constant 0 : i32
    %dma_start3A_43 = tpu.memref_slice %arg3[%dma_start3A_41, %dma_start3A_42] : memref<32128x512xf32, #tpu.memory_space<hbm>> -> memref<32128x512xf32, #tpu.memory_space<hbm>>
    tpu.enqueue_indirect_dma source(%dma_start3A_43 : memref<32128x512xf32, #tpu.memory_space<hbm>>) target(%arg9 : memref<16x512xf32, #tpu.memory_space<vmem>>) offsets(%dma_start3A_40 : memref<16xi32, #tpu.memory_space<vmem>>) semaphore(%arg21 : memref<!tpu.dma_semaphore, #tpu.memory_space<semaphore_mem>>)
    %dma_start3A_44 = arith.constant 32 : i32
    %dma_start3A_45 = tpu.memref_slice %arg6[%dma_start3A_44] : memref<256xi32, #tpu.memory_space<vmem>> -> memref<16xi32, #tpu.memory_space<vmem>>
    %dma_start3A_46 = arith.constant 0 : i32
    %dma_start3A_47 = arith.constant 0 : i32
    %dma_start3A_48 = tpu.memref_slice %arg3[%dma_start3A_46, %dma_start3A_47] : memref<32128x512xf32, #tpu.memory_space<hbm>> -> memref<32128x512xf32, #tpu.memory_space<hbm>>
    tpu.enqueue_indirect_dma source(%dma_start3A_48 : memref<32128x512xf32, #tpu.memory_space<hbm>>) target(%arg10 : memref<16x512xf32, #tpu.memory_space<vmem>>) offsets(%dma_start3A_45 : memref<16xi32, #tpu.memory_space<vmem>>) semaphore(%arg22 : memref<!tpu.dma_semaphore, #tpu.memory_space<semaphore_mem>>)
    %dma_start3A_49 = arith.constant 48 : i32
    %dma_start3A_50 = tpu.memref_slice %arg6[%dma_start3A_49] : memref<256xi32, #tpu.memory_space<vmem>> -> memref<16xi32, #tpu.memory_space<vmem>>
    %dma_start3A_51 = arith.constant 0 : i32
    %dma_start3A_52 = arith.constant 0 : i32
    %dma_start3A_53 = tpu.memref_slice %arg3[%dma_start3A_51, %dma_start3A_52] : memref<32128x512xf32, #tpu.memory_space<hbm>> -> memref<32128x512xf32, #tpu.memory_space<hbm>>
    tpu.enqueue_indirect_dma source(%dma_start3A_53 : memref<32128x512xf32, #tpu.memory_space<hbm>>) target(%arg11 : memref<16x512xf32, #tpu.memory_space<vmem>>) offsets(%dma_start3A_50 : memref<16xi32, #tpu.memory_space<vmem>>) semaphore(%arg23 : memref<!tpu.dma_semaphore, #tpu.memory_space<semaphore_mem>>)
    %dma_start3A_54 = arith.constant 64 : i32
    %dma_start3A_55 = tpu.memref_slice %arg6[%dma_start3A_54] : memref<256xi32, #tpu.memory_space<vmem>> -> memref<16xi32, #tpu.memory_space<vmem>>
    %dma_start3A_56 = arith.constant 0 : i32
    %dma_start3A_57 = arith.constant 0 : i32
    %dma_start3A_58 = tpu.memref_slice %arg3[%dma_start3A_56, %dma_start3A_57] : memref<32128x512xf32, #tpu.memory_space<hbm>> -> memref<32128x512xf32, #tpu.memory_space<hbm>>
    tpu.enqueue_indirect_dma source(%dma_start3A_58 : memref<32128x512xf32, #tpu.memory_space<hbm>>) target(%arg12 : memref<16x512xf32, #tpu.memory_space<vmem>>) offsets(%dma_start3A_55 : memref<16xi32, #tpu.memory_space<vmem>>) semaphore(%arg24 : memref<!tpu.dma_semaphore, #tpu.memory_space<semaphore_mem>>)
    %broadcast_in_dim3A = arith.constant 1.000000e+00 : f32
    %broadcast_in_dim3A_59 = vector.broadcast %broadcast_in_dim3A : f32 to vector<16xf32>
    %swap3A = arith.constant 0 : index
    %swap3A_60 = tpu.vector_load %arg7[%swap3A] {strides = array<i32>} : memref<256xf32, #tpu.memory_space<vmem>>, vector<16xf32>,
    %swap3A_61 = vector.shape_cast %swap3A_60 : vector<16xf32> to vector<16xf32>
    %swap3A_62 = vector.shape_cast %broadcast_in_dim3A_59 : vector<16xf32> to vector<16xf32>
    tpu.vector_store %arg7[%swap3A], %swap3A_62 {strides = array<i32>} : memref<256xf32, #tpu.memory_space<vmem>>, vector<16xf32>,
    %swap3A_63 = arith.constant 16 : index
    %swap3A_64 = tpu.vector_load %arg7[%swap3A_63] {strides = array<i32>} : memref<256xf32, #tpu.memory_space<vmem>>, vector<16xf32>,
    %swap3A_65 = vector.shape_cast %swap3A_64 : vector<16xf32> to vector<16xf32>
    %swap3A_66 = vector.shape_cast %broadcast_in_dim3A_59 : vector<16xf32> to vector<16xf32>
    tpu.vector_store %arg7[%swap3A_63], %swap3A_66 {strides = array<i32>} : memref<256xf32, #tpu.memory_space<vmem>>, vector<16xf32>,
    %swap3A_67 = arith.constant 32 : index
    %swap3A_68 = tpu.vector_load %arg7[%swap3A_67] {strides = array<i32>} : memref<256xf32, #tpu.memory_space<vmem>>, vector<16xf32>,
    %swap3A_69 = vector.shape_cast %swap3A_68 : vector<16xf32> to vector<16xf32>
    %swap3A_70 = vector.shape_cast %broadcast_in_dim3A_59 : vector<16xf32> to vector<16xf32>
    tpu.vector_store %arg7[%swap3A_67], %swap3A_70 {strides = array<i32>} : memref<256xf32, #tpu.memory_space<vmem>>, vector<16xf32>,
    %swap3A_71 = arith.constant 48 : index
    %swap3A_72 = tpu.vector_load %arg7[%swap3A_71] {strides = array<i32>} : memref<256xf32, #tpu.memory_space<vmem>>, vector<16xf32>,
    %swap3A_73 = vector.shape_cast %swap3A_72 : vector<16xf32> to vector<16xf32>
    %swap3A_74 = vector.shape_cast %broadcast_in_dim3A_59 : vector<16xf32> to vector<16xf32>
    tpu.vector_store %arg7[%swap3A_71], %swap3A_74 {strides = array<i32>} : memref<256xf32, #tpu.memory_space<vmem>>, vector<16xf32>,
    %swap3A_75 = arith.constant 64 : index
    %swap3A_76 = tpu.vector_load %arg7[%swap3A_75] {strides = array<i32>} : memref<256xf32, #tpu.memory_space<vmem>>, vector<16xf32>,
    %swap3A_77 = vector.shape_cast %swap3A_76 : vector<16xf32> to vector<16xf32>
    %swap3A_78 = vector.shape_cast %broadcast_in_dim3A_59 : vector<16xf32> to vector<16xf32>
    tpu.vector_store %arg7[%swap3A_75], %swap3A_78 {strides = array<i32>} : memref<256xf32, #tpu.memory_space<vmem>>, vector<16xf32>,
    %swap3A_79 = arith.constant 80 : index
    %swap3A_80 = tpu.vector_load %arg7[%swap3A_79] {strides = array<i32>} : memref<256xf32, #tpu.memory_space<vmem>>, vector<16xf32>,
    %swap3A_81 = vector.shape_cast %swap3A_80 : vector<16xf32> to vector<16xf32>
    %swap3A_82 = vector.shape_cast %broadcast_in_dim3A_59 : vector<16xf32> to vector<16xf32>
    tpu.vector_store %arg7[%swap3A_79], %swap3A_82 {strides = array<i32>} : memref<256xf32, #tpu.memory_space<vmem>>, vector<16xf32>,
    %swap3A_83 = arith.constant 96 : index
    %swap3A_84 = tpu.vector_load %arg7[%swap3A_83] {strides = array<i32>} : memref<256xf32, #tpu.memory_space<vmem>>, vector<16xf32>,
    %swap3A_85 = vector.shape_cast %swap3A_84 : vector<16xf32> to vector<16xf32>
    %swap3A_86 = vector.shape_cast %broadcast_in_dim3A_59 : vector<16xf32> to vector<16xf32>
    tpu.vector_store %arg7[%swap3A_83], %swap3A_86 {strides = array<i32>} : memref<256xf32, #tpu.memory_space<vmem>>, vector<16xf32>,
    %swap3A_87 = arith.constant 112 : index
    %swap3A_88 = tpu.vector_load %arg7[%swap3A_87] {strides = array<i32>} : memref<256xf32, #tpu.memory_space<vmem>>, vector<16xf32>,
    %swap3A_89 = vector.shape_cast %swap3A_88 : vector<16xf32> to vector<16xf32>
    %swap3A_90 = vector.shape_cast %broadcast_in_dim3A_59 : vector<16xf32> to vector<16xf32>
    tpu.vector_store %arg7[%swap3A_87], %swap3A_90 {strides = array<i32>} : memref<256xf32, #tpu.memory_space<vmem>>, vector<16xf32>,
    %swap3A_91 = arith.constant 128 : index
    %swap3A_92 = tpu.vector_load %arg7[%swap3A_91] {strides = array<i32>} : memref<256xf32, #tpu.memory_space<vmem>>, vector<16xf32>,
    %swap3A_93 = vector.shape_cast %swap3A_92 : vector<16xf32> to vector<16xf32>
    %swap3A_94 = vector.shape_cast %broadcast_in_dim3A_59 : vector<16xf32> to vector<16xf32>
    tpu.vector_store %arg7[%swap3A_91], %swap3A_94 {strides = array<i32>} : memref<256xf32, #tpu.memory_space<vmem>>, vector<16xf32>,
    %swap3A_95 = arith.constant 144 : index
    %swap3A_96 = tpu.vector_load %arg7[%swap3A_95] {strides = array<i32>} : memref<256xf32, #tpu.memory_space<vmem>>, vector<16xf32>,
    %swap3A_97 = vector.shape_cast %swap3A_96 : vector<16xf32> to vector<16xf32>
    %swap3A_98 = vector.shape_cast %broadcast_in_dim3A_59 : vector<16xf32> to vector<16xf32>
    tpu.vector_store %arg7[%swap3A_95], %swap3A_98 {strides = array<i32>} : memref<256xf32, #tpu.memory_space<vmem>>, vector<16xf32>,
    %swap3A_99 = arith.constant 160 : index
    %swap3A_100 = tpu.vector_load %arg7[%swap3A_99] {strides = array<i32>} : memref<256xf32, #tpu.memory_space<vmem>>, vector<16xf32>,
    %swap3A_101 = vector.shape_cast %swap3A_100 : vector<16xf32> to vector<16xf32>
    %swap3A_102 = vector.shape_cast %broadcast_in_dim3A_59 : vector<16xf32> to vector<16xf32>
    tpu.vector_store %arg7[%swap3A_99], %swap3A_102 {strides = array<i32>} : memref<256xf32, #tpu.memory_space<vmem>>, vector<16xf32>,
    %swap3A_103 = arith.constant 176 : index
    %swap3A_104 = tpu.vector_load %arg7[%swap3A_103] {strides = array<i32>} : memref<256xf32, #tpu.memory_space<vmem>>, vector<16xf32>,
    %swap3A_105 = vector.shape_cast %swap3A_104 : vector<16xf32> to vector<16xf32>
    %swap3A_106 = vector.shape_cast %broadcast_in_dim3A_59 : vector<16xf32> to vector<16xf32>
    tpu.vector_store %arg7[%swap3A_103], %swap3A_106 {strides = array<i32>} : memref<256xf32, #tpu.memory_space<vmem>>, vector<16xf32>,
    %swap3A_107 = arith.constant 192 : index
    %swap3A_108 = tpu.vector_load %arg7[%swap3A_107] {strides = array<i32>} : memref<256xf32, #tpu.memory_space<vmem>>, vector<16xf32>,
    %swap3A_109 = vector.shape_cast %swap3A_108 : vector<16xf32> to vector<16xf32>
    %swap3A_110 = vector.shape_cast %broadcast_in_dim3A_59 : vector<16xf32> to vector<16xf32>
    tpu.vector_store %arg7[%swap3A_107], %swap3A_110 {strides = array<i32>} : memref<256xf32, #tpu.memory_space<vmem>>, vector<16xf32>,
    %swap3A_111 = arith.constant 208 : index
    %swap3A_112 = tpu.vector_load %arg7[%swap3A_111] {strides = array<i32>} : memref<256xf32, #tpu.memory_space<vmem>>, vector<16xf32>,
    %swap3A_113 = vector.shape_cast %swap3A_112 : vector<16xf32> to vector<16xf32>
    %swap3A_114 = vector.shape_cast %broadcast_in_dim3A_59 : vector<16xf32> to vector<16xf32>
    tpu.vector_store %arg7[%swap3A_111], %swap3A_114 {strides = array<i32>} : memref<256xf32, #tpu.memory_space<vmem>>, vector<16xf32>,
    %swap3A_115 = arith.constant 224 : index
    %swap3A_116 = tpu.vector_load %arg7[%swap3A_115] {strides = array<i32>} : memref<256xf32, #tpu.memory_space<vmem>>, vector<16xf32>,
    %swap3A_117 = vector.shape_cast %swap3A_116 : vector<16xf32> to vector<16xf32>
    %swap3A_118 = vector.shape_cast %broadcast_in_dim3A_59 : vector<16xf32> to vector<16xf32>
    tpu.vector_store %arg7[%swap3A_115], %swap3A_118 {strides = array<i32>} : memref<256xf32, #tpu.memory_space<vmem>>, vector<16xf32>,
    %swap3A_119 = arith.constant 240 : index
    %swap3A_120 = tpu.vector_load %arg7[%swap3A_119] {strides = array<i32>} : memref<256xf32, #tpu.memory_space<vmem>>, vector<16xf32>,
    %swap3A_121 = vector.shape_cast %swap3A_120 : vector<16xf32> to vector<16xf32>
    %swap3A_122 = vector.shape_cast %broadcast_in_dim3A_59 : vector<16xf32> to vector<16xf32>
    tpu.vector_store %arg7[%swap3A_119], %swap3A_122 {strides = array<i32>} : memref<256xf32, #tpu.memory_space<vmem>>, vector<16xf32>,
    %dma_start3A_123 = tpu.memref_slice %arg5[%select_n3A, %mul3A_34] : memref<8x1024xf32, #tpu.memory_space<hbm>> -> memref<1x256xf32, #tpu.memory_space<hbm>>
    %dma_start3A_124 = tpu.memref_squeeze %dma_start3A_123 : memref<1x256xf32, #tpu.memory_space<hbm>> -> memref<256xf32, #tpu.memory_space<hbm>>
    %dma_start3A_125 = tpu.memref_slice %arg5[%select_n3A, %mul3A_34] : memref<8x1024xf32, #tpu.memory_space<hbm>> -> memref<1x256xf32, #tpu.memory_space<hbm>>
    %dma_start3A_126 = tpu.memref_squeeze %dma_start3A_125 : memref<1x256xf32, #tpu.memory_space<hbm>> -> memref<256xf32, #tpu.memory_space<hbm>>
    tpu.enqueue_dma source(%arg7 : memref<256xf32, #tpu.memory_space<vmem>>) target(%dma_start3A_126 : memref<256xf32, #tpu.memory_space<hbm>>) target_semaphore(%arg52 : memref<!tpu.dma_semaphore, #tpu.memory_space<semaphore_mem>>)
    %dma_wait3A = arith.constant 0 : i32
    %dma_wait3A_127 = tpu.memref_slice %arg6[%dma_wait3A] : memref<256xi32, #tpu.memory_space<vmem>> -> memref<16xi32, #tpu.memory_space<vmem>>
    %dma_wait3A_128 = arith.constant 0 : i32
    %dma_wait3A_129 = arith.constant 0 : i32
    %dma_wait3A_130 = tpu.memref_slice %arg3[%dma_wait3A_128, %dma_wait3A_129] : memref<32128x512xf32, #tpu.memory_space<hbm>> -> memref<32128x512xf32, #tpu.memory_space<hbm>>
    tpu.wait_indirect_dma semaphore(%arg20 : memref<!tpu.dma_semaphore, #tpu.memory_space<semaphore_mem>>) src(%dma_wait3A_130 : memref<32128x512xf32, #tpu.memory_space<hbm>>) dst(%arg8 : memref<16x512xf32, #tpu.memory_space<vmem>>)
    %add3A_131 = arith.constant 0 : i32
    %add3A_132 = arith.addi %mul3A_2, %add3A_131 : i32
    %dma_start3A_133 = arith.constant 0 : i32
    %dma_start3A_134 = tpu.memref_slice %arg4[%add3A_132, %dma_start3A_133] : memref<8192x512xf32, #tpu.memory_space<hbm>> -> memref<16x512xf32, #tpu.memory_space<hbm>>
    %dma_start3A_135 = arith.constant 0 : i32
    %dma_start3A_136 = tpu.memref_slice %arg4[%add3A_132, %dma_start3A_135] : memref<8192x512xf32, #tpu.memory_space<hbm>> -> memref<16x512xf32, #tpu.memory_space<hbm>>
    tpu.enqueue_dma source(%arg8 : memref<16x512xf32, #tpu.memory_space<vmem>>) target(%dma_start3A_136 : memref<16x512xf32, #tpu.memory_space<hbm>>) target_semaphore(%arg36 : memref<!tpu.dma_semaphore, #tpu.memory_space<semaphore_mem>>)
    %dma_start3A_137 = arith.constant 80 : i32
    %dma_start3A_138 = tpu.memref_slice %arg6[%dma_start3A_137] : memref<256xi32, #tpu.memory_space<vmem>> -> memref<16xi32, #tpu.memory_space<vmem>>
    %dma_start3A_139 = arith.constant 0 : i32
    %dma_start3A_140 = arith.constant 0 : i32
    %dma_start3A_141 = tpu.memref_slice %arg3[%dma_start3A_139, %dma_start3A_140] : memref<32128x512xf32, #tpu.memory_space<hbm>> -> memref<32128x512xf32, #tpu.memory_space<hbm>>
    tpu.enqueue_indirect_dma source(%dma_start3A_141 : memref<32128x512xf32, #tpu.memory_space<hbm>>) target(%arg13 : memref<16x512xf32, #tpu.memory_space<vmem>>) offsets(%dma_start3A_138 : memref<16xi32, #tpu.memory_space<vmem>>) semaphore(%arg25 : memref<!tpu.dma_semaphore, #tpu.memory_space<semaphore_mem>>)
    %dma_wait3A_142 = arith.constant 16 : i32
    %dma_wait3A_143 = tpu.memref_slice %arg6[%dma_wait3A_142] : memref<256xi32, #tpu.memory_space<vmem>> -> memref<16xi32, #tpu.memory_space<vmem>>
    %dma_wait3A_144 = arith.constant 0 : i32
    %dma_wait3A_145 = arith.constant 0 : i32
    %dma_wait3A_146 = tpu.memref_slice %arg3[%dma_wait3A_144, %dma_wait3A_145] : memref<32128x512xf32, #tpu.memory_space<hbm>> -> memref<32128x512xf32, #tpu.memory_space<hbm>>
    tpu.wait_indirect_dma semaphore(%arg21 : memref<!tpu.dma_semaphore, #tpu.memory_space<semaphore_mem>>) src(%dma_wait3A_146 : memref<32128x512xf32, #tpu.memory_space<hbm>>) dst(%arg9 : memref<16x512xf32, #tpu.memory_space<vmem>>)
    %add3A_147 = arith.constant 16 : i32
    %add3A_148 = arith.addi %mul3A_2, %add3A_147 : i32
    %dma_start3A_149 = arith.constant 0 : i32
    %dma_start3A_150 = tpu.memref_slice %arg4[%add3A_148, %dma_start3A_149] : memref<8192x512xf32, #tpu.memory_space<hbm>> -> memref<16x512xf32, #tpu.memory_space<hbm>>
    %dma_start3A_151 = arith.constant 0 : i32
    %dma_start3A_152 = tpu.memref_slice %arg4[%add3A_148, %dma_start3A_151] : memref<8192x512xf32, #tpu.memory_space<hbm>> -> memref<16x512xf32, #tpu.memory_space<hbm>>
    tpu.enqueue_dma source(%arg9 : memref<16x512xf32, #tpu.memory_space<vmem>>) target(%dma_start3A_152 : memref<16x512xf32, #tpu.memory_space<hbm>>) target_semaphore(%arg37 : memref<!tpu.dma_semaphore, #tpu.memory_space<semaphore_mem>>)
    %dma_start3A_153 = arith.constant 96 : i32
    %dma_start3A_154 = tpu.memref_slice %arg6[%dma_start3A_153] : memref<256xi32, #tpu.memory_space<vmem>> -> memref<16xi32, #tpu.memory_space<vmem>>
    %dma_start3A_155 = arith.constant 0 : i32
    %dma_start3A_156 = arith.constant 0 : i32
    %dma_start3A_157 = tpu.memref_slice %arg3[%dma_start3A_155, %dma_start3A_156] : memref<32128x512xf32, #tpu.memory_space<hbm>> -> memref<32128x512xf32, #tpu.memory_space<hbm>>
    tpu.enqueue_indirect_dma source(%dma_start3A_157 : memref<32128x512xf32, #tpu.memory_space<hbm>>) target(%arg14 : memref<16x512xf32, #tpu.memory_space<vmem>>) offsets(%dma_start3A_154 : memref<16xi32, #tpu.memory_space<vmem>>) semaphore(%arg26 : memref<!tpu.dma_semaphore, #tpu.memory_space<semaphore_mem>>)
    %dma_wait3A_158 = arith.constant 32 : i32
    %dma_wait3A_159 = tpu.memref_slice %arg6[%dma_wait3A_158] : memref<256xi32, #tpu.memory_space<vmem>> -> memref<16xi32, #tpu.memory_space<vmem>>
    %dma_wait3A_160 = arith.constant 0 : i32
    %dma_wait3A_161 = arith.constant 0 : i32
    %dma_wait3A_162 = tpu.memref_slice %arg3[%dma_wait3A_160, %dma_wait3A_161] : memref<32128x512xf32, #tpu.memory_space<hbm>> -> memref<32128x512xf32, #tpu.memory_space<hbm>>
    tpu.wait_indirect_dma semaphore(%arg22 : memref<!tpu.dma_semaphore, #tpu.memory_space<semaphore_mem>>) src(%dma_wait3A_162 : memref<32128x512xf32, #tpu.memory_space<hbm>>) dst(%arg10 : memref<16x512xf32, #tpu.memory_space<vmem>>)
    %add3A_163 = arith.constant 32 : i32
    %add3A_164 = arith.addi %mul3A_2, %add3A_163 : i32
    %dma_start3A_165 = arith.constant 0 : i32
    %dma_start3A_166 = tpu.memref_slice %arg4[%add3A_164, %dma_start3A_165] : memref<8192x512xf32, #tpu.memory_space<hbm>> -> memref<16x512xf32, #tpu.memory_space<hbm>>
    %dma_start3A_167 = arith.constant 0 : i32
    %dma_start3A_168 = tpu.memref_slice %arg4[%add3A_164, %dma_start3A_167] : memref<8192x512xf32, #tpu.memory_space<hbm>> -> memref<16x512xf32, #tpu.memory_space<hbm>>
    tpu.enqueue_dma source(%arg10 : memref<16x512xf32, #tpu.memory_space<vmem>>) target(%dma_start3A_168 : memref<16x512xf32, #tpu.memory_space<hbm>>) target_semaphore(%arg38 : memref<!tpu.dma_semaphore, #tpu.memory_space<semaphore_mem>>)
    %dma_start3A_169 = arith.constant 112 : i32
    %dma_start3A_170 = tpu.memref_slice %arg6[%dma_start3A_169] : memref<256xi32, #tpu.memory_space<vmem>> -> memref<16xi32, #tpu.memory_space<vmem>>
    %dma_start3A_171 = arith.constant 0 : i32
    %dma_start3A_172 = arith.constant 0 : i32
    %dma_start3A_173 = tpu.memref_slice %arg3[%dma_start3A_171, %dma_start3A_172] : memref<32128x512xf32, #tpu.memory_space<hbm>> -> memref<32128x512xf32, #tpu.memory_space<hbm>>
    tpu.enqueue_indirect_dma source(%dma_start3A_173 : memref<32128x512xf32, #tpu.memory_space<hbm>>) target(%arg15 : memref<16x512xf32, #tpu.memory_space<vmem>>) offsets(%dma_start3A_170 : memref<16xi32, #tpu.memory_space<vmem>>) semaphore(%arg27 : memref<!tpu.dma_semaphore, #tpu.memory_space<semaphore_mem>>)
    %dma_wait3A_174 = arith.constant 48 : i32
    %dma_wait3A_175 = tpu.memref_slice %arg6[%dma_wait3A_174] : memref<256xi32, #tpu.memory_space<vmem>> -> memref<16xi32, #tpu.memory_space<vmem>>
    %dma_wait3A_176 = arith.constant 0 : i32
    %dma_wait3A_177 = arith.constant 0 : i32
    %dma_wait3A_178 = tpu.memref_slice %arg3[%dma_wait3A_176, %dma_wait3A_177] : memref<32128x512xf32, #tpu.memory_space<hbm>> -> memref<32128x512xf32, #tpu.memory_space<hbm>>
    tpu.wait_indirect_dma semaphore(%arg23 : memref<!tpu.dma_semaphore, #tpu.memory_space<semaphore_mem>>) src(%dma_wait3A_178 : memref<32128x512xf32, #tpu.memory_space<hbm>>) dst(%arg11 : memref<16x512xf32, #tpu.memory_space<vmem>>)
    %add3A_179 = arith.constant 48 : i32
    %add3A_180 = arith.addi %mul3A_2, %add3A_179 : i32
    %dma_start3A_181 = arith.constant 0 : i32
    %dma_start3A_182 = tpu.memref_slice %arg4[%add3A_180, %dma_start3A_181] : memref<8192x512xf32, #tpu.memory_space<hbm>> -> memref<16x512xf32, #tpu.memory_space<hbm>>
    %dma_start3A_183 = arith.constant 0 : i32
    %dma_start3A_184 = tpu.memref_slice %arg4[%add3A_180, %dma_start3A_183] : memref<8192x512xf32, #tpu.memory_space<hbm>> -> memref<16x512xf32, #tpu.memory_space<hbm>>
    tpu.enqueue_dma source(%arg11 : memref<16x512xf32, #tpu.memory_space<vmem>>) target(%dma_start3A_184 : memref<16x512xf32, #tpu.memory_space<hbm>>) target_semaphore(%arg39 : memref<!tpu.dma_semaphore, #tpu.memory_space<semaphore_mem>>)
    %dma_start3A_185 = arith.constant 128 : i32
    %dma_start3A_186 = tpu.memref_slice %arg6[%dma_start3A_185] : memref<256xi32, #tpu.memory_space<vmem>> -> memref<16xi32, #tpu.memory_space<vmem>>
    %dma_start3A_187 = arith.constant 0 : i32
    %dma_start3A_188 = arith.constant 0 : i32
    %dma_start3A_189 = tpu.memref_slice %arg3[%dma_start3A_187, %dma_start3A_188] : memref<32128x512xf32, #tpu.memory_space<hbm>> -> memref<32128x512xf32, #tpu.memory_space<hbm>>
    tpu.enqueue_indirect_dma source(%dma_start3A_189 : memref<32128x512xf32, #tpu.memory_space<hbm>>) target(%arg16 : memref<16x512xf32, #tpu.memory_space<vmem>>) offsets(%dma_start3A_186 : memref<16xi32, #tpu.memory_space<vmem>>) semaphore(%arg28 : memref<!tpu.dma_semaphore, #tpu.memory_space<semaphore_mem>>)
    %dma_wait3A_190 = arith.constant 64 : i32
    %dma_wait3A_191 = tpu.memref_slice %arg6[%dma_wait3A_190] : memref<256xi32, #tpu.memory_space<vmem>> -> memref<16xi32, #tpu.memory_space<vmem>>
    %dma_wait3A_192 = arith.constant 0 : i32
    %dma_wait3A_193 = arith.constant 0 : i32
    %dma_wait3A_194 = tpu.memref_slice %arg3[%dma_wait3A_192, %dma_wait3A_193] : memref<32128x512xf32, #tpu.memory_space<hbm>> -> memref<32128x512xf32, #tpu.memory_space<hbm>>
    tpu.wait_indirect_dma semaphore(%arg24 : memref<!tpu.dma_semaphore, #tpu.memory_space<semaphore_mem>>) src(%dma_wait3A_194 : memref<32128x512xf32, #tpu.memory_space<hbm>>) dst(%arg12 : memref<16x512xf32, #tpu.memory_space<vmem>>)
    %add3A_195 = arith.constant 64 : i32
    %add3A_196 = arith.addi %mul3A_2, %add3A_195 : i32
    %dma_start3A_197 = arith.constant 0 : i32
    %dma_start3A_198 = tpu.memref_slice %arg4[%add3A_196, %dma_start3A_197] : memref<8192x512xf32, #tpu.memory_space<hbm>> -> memref<16x512xf32, #tpu.memory_space<hbm>>
    %dma_start3A_199 = arith.constant 0 : i32
    %dma_start3A_200 = tpu.memref_slice %arg4[%add3A_196, %dma_start3A_199] : memref<8192x512xf32, #tpu.memory_space<hbm>> -> memref<16x512xf32, #tpu.memory_space<hbm>>
    tpu.enqueue_dma source(%arg12 : memref<16x512xf32, #tpu.memory_space<vmem>>) target(%dma_start3A_200 : memref<16x512xf32, #tpu.memory_space<hbm>>) target_semaphore(%arg40 : memref<!tpu.dma_semaphore, #tpu.memory_space<semaphore_mem>>)
    %dma_start3A_201 = arith.constant 144 : i32
    %dma_start3A_202 = tpu.memref_slice %arg6[%dma_start3A_201] : memref<256xi32, #tpu.memory_space<vmem>> -> memref<16xi32, #tpu.memory_space<vmem>>
    %dma_start3A_203 = arith.constant 0 : i32
    %dma_start3A_204 = arith.constant 0 : i32
    %dma_start3A_205 = tpu.memref_slice %arg3[%dma_start3A_203, %dma_start3A_204] : memref<32128x512xf32, #tpu.memory_space<hbm>> -> memref<32128x512xf32, #tpu.memory_space<hbm>>
    tpu.enqueue_indirect_dma source(%dma_start3A_205 : memref<32128x512xf32, #tpu.memory_space<hbm>>) target(%arg17 : memref<16x512xf32, #tpu.memory_space<vmem>>) offsets(%dma_start3A_202 : memref<16xi32, #tpu.memory_space<vmem>>) semaphore(%arg29 : memref<!tpu.dma_semaphore, #tpu.memory_space<semaphore_mem>>)
    %dma_wait3A_206 = arith.constant 80 : i32
    %dma_wait3A_207 = tpu.memref_slice %arg6[%dma_wait3A_206] : memref<256xi32, #tpu.memory_space<vmem>> -> memref<16xi32, #tpu.memory_space<vmem>>
    %dma_wait3A_208 = arith.constant 0 : i32
    %dma_wait3A_209 = arith.constant 0 : i32
    %dma_wait3A_210 = tpu.memref_slice %arg3[%dma_wait3A_208, %dma_wait3A_209] : memref<32128x512xf32, #tpu.memory_space<hbm>> -> memref<32128x512xf32, #tpu.memory_space<hbm>>
    tpu.wait_indirect_dma semaphore(%arg25 : memref<!tpu.dma_semaphore, #tpu.memory_space<semaphore_mem>>) src(%dma_wait3A_210 : memref<32128x512xf32, #tpu.memory_space<hbm>>) dst(%arg13 : memref<16x512xf32, #tpu.memory_space<vmem>>)
    %add3A_211 = arith.constant 80 : i32
    %add3A_212 = arith.addi %mul3A_2, %add3A_211 : i32
    %dma_start3A_213 = arith.constant 0 : i32
    %dma_start3A_214 = tpu.memref_slice %arg4[%add3A_212, %dma_start3A_213] : memref<8192x512xf32, #tpu.memory_space<hbm>> -> memref<16x512xf32, #tpu.memory_space<hbm>>
    %dma_start3A_215 = arith.constant 0 : i32
    %dma_start3A_216 = tpu.memref_slice %arg4[%add3A_212, %dma_start3A_215] : memref<8192x512xf32, #tpu.memory_space<hbm>> -> memref<16x512xf32, #tpu.memory_space<hbm>>
    tpu.enqueue_dma source(%arg13 : memref<16x512xf32, #tpu.memory_space<vmem>>) target(%dma_start3A_216 : memref<16x512xf32, #tpu.memory_space<hbm>>) target_semaphore(%arg41 : memref<!tpu.dma_semaphore, #tpu.memory_space<semaphore_mem>>)
    %dma_start3A_217 = arith.constant 160 : i32
    %dma_start3A_218 = tpu.memref_slice %arg6[%dma_start3A_217] : memref<256xi32, #tpu.memory_space<vmem>> -> memref<16xi32, #tpu.memory_space<vmem>>
    %dma_start3A_219 = arith.constant 0 : i32
    %dma_start3A_220 = arith.constant 0 : i32
    %dma_start3A_221 = tpu.memref_slice %arg3[%dma_start3A_219, %dma_start3A_220] : memref<32128x512xf32, #tpu.memory_space<hbm>> -> memref<32128x512xf32, #tpu.memory_space<hbm>>
    tpu.enqueue_indirect_dma source(%dma_start3A_221 : memref<32128x512xf32, #tpu.memory_space<hbm>>) target(%arg18 : memref<16x512xf32, #tpu.memory_space<vmem>>) offsets(%dma_start3A_218 : memref<16xi32, #tpu.memory_space<vmem>>) semaphore(%arg30 : memref<!tpu.dma_semaphore, #tpu.memory_space<semaphore_mem>>)
    %dma_wait3A_222 = arith.constant 96 : i32
    %dma_wait3A_223 = tpu.memref_slice %arg6[%dma_wait3A_222] : memref<256xi32, #tpu.memory_space<vmem>> -> memref<16xi32, #tpu.memory_space<vmem>>
    %dma_wait3A_224 = arith.constant 0 : i32
    %dma_wait3A_225 = arith.constant 0 : i32
    %dma_wait3A_226 = tpu.memref_slice %arg3[%dma_wait3A_224, %dma_wait3A_225] : memref<32128x512xf32, #tpu.memory_space<hbm>> -> memref<32128x512xf32, #tpu.memory_space<hbm>>
    tpu.wait_indirect_dma semaphore(%arg26 : memref<!tpu.dma_semaphore, #tpu.memory_space<semaphore_mem>>) src(%dma_wait3A_226 : memref<32128x512xf32, #tpu.memory_space<hbm>>) dst(%arg14 : memref<16x512xf32, #tpu.memory_space<vmem>>)
    %add3A_227 = arith.constant 96 : i32
    %add3A_228 = arith.addi %mul3A_2, %add3A_227 : i32
    %dma_start3A_229 = arith.constant 0 : i32
    %dma_start3A_230 = tpu.memref_slice %arg4[%add3A_228, %dma_start3A_229] : memref<8192x512xf32, #tpu.memory_space<hbm>> -> memref<16x512xf32, #tpu.memory_space<hbm>>
    %dma_start3A_231 = arith.constant 0 : i32
    %dma_start3A_232 = tpu.memref_slice %arg4[%add3A_228, %dma_start3A_231] : memref<8192x512xf32, #tpu.memory_space<hbm>> -> memref<16x512xf32, #tpu.memory_space<hbm>>
    tpu.enqueue_dma source(%arg14 : memref<16x512xf32, #tpu.memory_space<vmem>>) target(%dma_start3A_232 : memref<16x512xf32, #tpu.memory_space<hbm>>) target_semaphore(%arg42 : memref<!tpu.dma_semaphore, #tpu.memory_space<semaphore_mem>>)
    %dma_start3A_233 = arith.constant 176 : i32
    %dma_start3A_234 = tpu.memref_slice %arg6[%dma_start3A_233] : memref<256xi32, #tpu.memory_space<vmem>> -> memref<16xi32, #tpu.memory_space<vmem>>
    %dma_start3A_235 = arith.constant 0 : i32
    %dma_start3A_236 = arith.constant 0 : i32
    %dma_start3A_237 = tpu.memref_slice %arg3[%dma_start3A_235, %dma_start3A_236] : memref<32128x512xf32, #tpu.memory_space<hbm>> -> memref<32128x512xf32, #tpu.memory_space<hbm>>
    tpu.enqueue_indirect_dma source(%dma_start3A_237 : memref<32128x512xf32, #tpu.memory_space<hbm>>) target(%arg19 : memref<16x512xf32, #tpu.memory_space<vmem>>) offsets(%dma_start3A_234 : memref<16xi32, #tpu.memory_space<vmem>>) semaphore(%arg31 : memref<!tpu.dma_semaphore, #tpu.memory_space<semaphore_mem>>)
    %dma_wait3A_238 = arith.constant 112 : i32
    %dma_wait3A_239 = tpu.memref_slice %arg6[%dma_wait3A_238] : memref<256xi32, #tpu.memory_space<vmem>> -> memref<16xi32, #tpu.memory_space<vmem>>
    %dma_wait3A_240 = arith.constant 0 : i32
    %dma_wait3A_241 = arith.constant 0 : i32
    %dma_wait3A_242 = tpu.memref_slice %arg3[%dma_wait3A_240, %dma_wait3A_241] : memref<32128x512xf32, #tpu.memory_space<hbm>> -> memref<32128x512xf32, #tpu.memory_space<hbm>>
    tpu.wait_indirect_dma semaphore(%arg27 : memref<!tpu.dma_semaphore, #tpu.memory_space<semaphore_mem>>) src(%dma_wait3A_242 : memref<32128x512xf32, #tpu.memory_space<hbm>>) dst(%arg15 : memref<16x512xf32, #tpu.memory_space<vmem>>)
    %add3A_243 = arith.constant 112 : i32
    %add3A_244 = arith.addi %mul3A_2, %add3A_243 : i32
    %dma_start3A_245 = arith.constant 0 : i32
    %dma_start3A_246 = tpu.memref_slice %arg4[%add3A_244, %dma_start3A_245] : memref<8192x512xf32, #tpu.memory_space<hbm>> -> memref<16x512xf32, #tpu.memory_space<hbm>>
    %dma_start3A_247 = arith.constant 0 : i32
    %dma_start3A_248 = tpu.memref_slice %arg4[%add3A_244, %dma_start3A_247] : memref<8192x512xf32, #tpu.memory_space<hbm>> -> memref<16x512xf32, #tpu.memory_space<hbm>>
    tpu.enqueue_dma source(%arg15 : memref<16x512xf32, #tpu.memory_space<vmem>>) target(%dma_start3A_248 : memref<16x512xf32, #tpu.memory_space<hbm>>) target_semaphore(%arg43 : memref<!tpu.dma_semaphore, #tpu.memory_space<semaphore_mem>>)
    %dma_wait3A_249 = arith.constant 0 : i32
    %dma_wait3A_250 = tpu.memref_slice %arg4[%add3A_132, %dma_wait3A_249] : memref<8192x512xf32, #tpu.memory_space<hbm>> -> memref<16x512xf32, #tpu.memory_space<hbm>>
    %dma_wait3A_251 = arith.constant 0 : i32
    %dma_wait3A_252 = tpu.memref_slice %arg4[%add3A_132, %dma_wait3A_251] : memref<8192x512xf32, #tpu.memory_space<hbm>> -> memref<16x512xf32, #tpu.memory_space<hbm>>
    tpu.wait_dma2 semaphore(%arg36 : memref<!tpu.dma_semaphore, #tpu.memory_space<semaphore_mem>>) src(%arg8 : memref<16x512xf32, #tpu.memory_space<vmem>>) dst(%dma_wait3A_252 : memref<16x512xf32, #tpu.memory_space<hbm>>)
    %dma_start3A_253 = arith.constant 192 : i32
    %dma_start3A_254 = tpu.memref_slice %arg6[%dma_start3A_253] : memref<256xi32, #tpu.memory_space<vmem>> -> memref<16xi32, #tpu.memory_space<vmem>>
    %dma_start3A_255 = arith.constant 0 : i32
    %dma_start3A_256 = arith.constant 0 : i32
    %dma_start3A_257 = tpu.memref_slice %arg3[%dma_start3A_255, %dma_start3A_256] : memref<32128x512xf32, #tpu.memory_space<hbm>> -> memref<32128x512xf32, #tpu.memory_space<hbm>>
    tpu.enqueue_indirect_dma source(%dma_start3A_257 : memref<32128x512xf32, #tpu.memory_space<hbm>>) target(%arg8 : memref<16x512xf32, #tpu.memory_space<vmem>>) offsets(%dma_start3A_254 : memref<16xi32, #tpu.memory_space<vmem>>) semaphore(%arg32 : memref<!tpu.dma_semaphore, #tpu.memory_space<semaphore_mem>>)
    %dma_wait3A_258 = arith.constant 128 : i32
    %dma_wait3A_259 = tpu.memref_slice %arg6[%dma_wait3A_258] : memref<256xi32, #tpu.memory_space<vmem>> -> memref<16xi32, #tpu.memory_space<vmem>>
    %dma_wait3A_260 = arith.constant 0 : i32
    %dma_wait3A_261 = arith.constant 0 : i32
    %dma_wait3A_262 = tpu.memref_slice %arg3[%dma_wait3A_260, %dma_wait3A_261] : memref<32128x512xf32, #tpu.memory_space<hbm>> -> memref<32128x512xf32, #tpu.memory_space<hbm>>
    tpu.wait_indirect_dma semaphore(%arg28 : memref<!tpu.dma_semaphore, #tpu.memory_space<semaphore_mem>>) src(%dma_wait3A_262 : memref<32128x512xf32, #tpu.memory_space<hbm>>) dst(%arg16 : memref<16x512xf32, #tpu.memory_space<vmem>>)
    %add3A_263 = arith.constant 128 : i32
    %add3A_264 = arith.addi %mul3A_2, %add3A_263 : i32
    %dma_start3A_265 = arith.constant 0 : i32
    %dma_start3A_266 = tpu.memref_slice %arg4[%add3A_264, %dma_start3A_265] : memref<8192x512xf32, #tpu.memory_space<hbm>> -> memref<16x512xf32, #tpu.memory_space<hbm>>
    %dma_start3A_267 = arith.constant 0 : i32
    %dma_start3A_268 = tpu.memref_slice %arg4[%add3A_264, %dma_start3A_267] : memref<8192x512xf32, #tpu.memory_space<hbm>> -> memref<16x512xf32, #tpu.memory_space<hbm>>
    tpu.enqueue_dma source(%arg16 : memref<16x512xf32, #tpu.memory_space<vmem>>) target(%dma_start3A_268 : memref<16x512xf32, #tpu.memory_space<hbm>>) target_semaphore(%arg44 : memref<!tpu.dma_semaphore, #tpu.memory_space<semaphore_mem>>)
    %dma_wait3A_269 = arith.constant 0 : i32
    %dma_wait3A_270 = tpu.memref_slice %arg4[%add3A_148, %dma_wait3A_269] : memref<8192x512xf32, #tpu.memory_space<hbm>> -> memref<16x512xf32, #tpu.memory_space<hbm>>
    %dma_wait3A_271 = arith.constant 0 : i32
    %dma_wait3A_272 = tpu.memref_slice %arg4[%add3A_148, %dma_wait3A_271] : memref<8192x512xf32, #tpu.memory_space<hbm>> -> memref<16x512xf32, #tpu.memory_space<hbm>>
    tpu.wait_dma2 semaphore(%arg37 : memref<!tpu.dma_semaphore, #tpu.memory_space<semaphore_mem>>) src(%arg9 : memref<16x512xf32, #tpu.memory_space<vmem>>) dst(%dma_wait3A_272 : memref<16x512xf32, #tpu.memory_space<hbm>>)
    %dma_start3A_273 = arith.constant 208 : i32
    %dma_start3A_274 = tpu.memref_slice %arg6[%dma_start3A_273] : memref<256xi32, #tpu.memory_space<vmem>> -> memref<16xi32, #tpu.memory_space<vmem>>
    %dma_start3A_275 = arith.constant 0 : i32
    %dma_start3A_276 = arith.constant 0 : i32
    %dma_start3A_277 = tpu.memref_slice %arg3[%dma_start3A_275, %dma_start3A_276] : memref<32128x512xf32, #tpu.memory_space<hbm>> -> memref<32128x512xf32, #tpu.memory_space<hbm>>
    tpu.enqueue_indirect_dma source(%dma_start3A_277 : memref<32128x512xf32, #tpu.memory_space<hbm>>) target(%arg9 : memref<16x512xf32, #tpu.memory_space<vmem>>) offsets(%dma_start3A_274 : memref<16xi32, #tpu.memory_space<vmem>>) semaphore(%arg33 : memref<!tpu.dma_semaphore, #tpu.memory_space<semaphore_mem>>)
    %dma_wait3A_278 = arith.constant 144 : i32
    %dma_wait3A_279 = tpu.memref_slice %arg6[%dma_wait3A_278] : memref<256xi32, #tpu.memory_space<vmem>> -> memref<16xi32, #tpu.memory_space<vmem>>
    %dma_wait3A_280 = arith.constant 0 : i32
    %dma_wait3A_281 = arith.constant 0 : i32
    %dma_wait3A_282 = tpu.memref_slice %arg3[%dma_wait3A_280, %dma_wait3A_281] : memref<32128x512xf32, #tpu.memory_space<hbm>> -> memref<32128x512xf32, #tpu.memory_space<hbm>>
    tpu.wait_indirect_dma semaphore(%arg29 : memref<!tpu.dma_semaphore, #tpu.memory_space<semaphore_mem>>) src(%dma_wait3A_282 : memref<32128x512xf32, #tpu.memory_space<hbm>>) dst(%arg17 : memref<16x512xf32, #tpu.memory_space<vmem>>)
    %add3A_283 = arith.constant 144 : i32
    %add3A_284 = arith.addi %mul3A_2, %add3A_283 : i32
    %dma_start3A_285 = arith.constant 0 : i32
    %dma_start3A_286 = tpu.memref_slice %arg4[%add3A_284, %dma_start3A_285] : memref<8192x512xf32, #tpu.memory_space<hbm>> -> memref<16x512xf32, #tpu.memory_space<hbm>>
    %dma_start3A_287 = arith.constant 0 : i32
    %dma_start3A_288 = tpu.memref_slice %arg4[%add3A_284, %dma_start3A_287] : memref<8192x512xf32, #tpu.memory_space<hbm>> -> memref<16x512xf32, #tpu.memory_space<hbm>>
    tpu.enqueue_dma source(%arg17 : memref<16x512xf32, #tpu.memory_space<vmem>>) target(%dma_start3A_288 : memref<16x512xf32, #tpu.memory_space<hbm>>) target_semaphore(%arg45 : memref<!tpu.dma_semaphore, #tpu.memory_space<semaphore_mem>>)
    %dma_wait3A_289 = arith.constant 0 : i32
    %dma_wait3A_290 = tpu.memref_slice %arg4[%add3A_164, %dma_wait3A_289] : memref<8192x512xf32, #tpu.memory_space<hbm>> -> memref<16x512xf32, #tpu.memory_space<hbm>>
    %dma_wait3A_291 = arith.constant 0 : i32
    %dma_wait3A_292 = tpu.memref_slice %arg4[%add3A_164, %dma_wait3A_291] : memref<8192x512xf32, #tpu.memory_space<hbm>> -> memref<16x512xf32, #tpu.memory_space<hbm>>
    tpu.wait_dma2 semaphore(%arg38 : memref<!tpu.dma_semaphore, #tpu.memory_space<semaphore_mem>>) src(%arg10 : memref<16x512xf32, #tpu.memory_space<vmem>>) dst(%dma_wait3A_292 : memref<16x512xf32, #tpu.memory_space<hbm>>)
    %dma_start3A_293 = arith.constant 224 : i32
    %dma_start3A_294 = tpu.memref_slice %arg6[%dma_start3A_293] : memref<256xi32, #tpu.memory_space<vmem>> -> memref<16xi32, #tpu.memory_space<vmem>>
    %dma_start3A_295 = arith.constant 0 : i32
    %dma_start3A_296 = arith.constant 0 : i32
    %dma_start3A_297 = tpu.memref_slice %arg3[%dma_start3A_295, %dma_start3A_296] : memref<32128x512xf32, #tpu.memory_space<hbm>> -> memref<32128x512xf32, #tpu.memory_space<hbm>>
    tpu.enqueue_indirect_dma source(%dma_start3A_297 : memref<32128x512xf32, #tpu.memory_space<hbm>>) target(%arg10 : memref<16x512xf32, #tpu.memory_space<vmem>>) offsets(%dma_start3A_294 : memref<16xi32, #tpu.memory_space<vmem>>) semaphore(%arg34 : memref<!tpu.dma_semaphore, #tpu.memory_space<semaphore_mem>>)
    %dma_wait3A_298 = arith.constant 160 : i32
    %dma_wait3A_299 = tpu.memref_slice %arg6[%dma_wait3A_298] : memref<256xi32, #tpu.memory_space<vmem>> -> memref<16xi32, #tpu.memory_space<vmem>>
    %dma_wait3A_300 = arith.constant 0 : i32
    %dma_wait3A_301 = arith.constant 0 : i32
    %dma_wait3A_302 = tpu.memref_slice %arg3[%dma_wait3A_300, %dma_wait3A_301] : memref<32128x512xf32, #tpu.memory_space<hbm>> -> memref<32128x512xf32, #tpu.memory_space<hbm>>
    tpu.wait_indirect_dma semaphore(%arg30 : memref<!tpu.dma_semaphore, #tpu.memory_space<semaphore_mem>>) src(%dma_wait3A_302 : memref<32128x512xf32, #tpu.memory_space<hbm>>) dst(%arg18 : memref<16x512xf32, #tpu.memory_space<vmem>>)
    %add3A_303 = arith.constant 160 : i32
    %add3A_304 = arith.addi %mul3A_2, %add3A_303 : i32
    %dma_start3A_305 = arith.constant 0 : i32
    %dma_start3A_306 = tpu.memref_slice %arg4[%add3A_304, %dma_start3A_305] : memref<8192x512xf32, #tpu.memory_space<hbm>> -> memref<16x512xf32, #tpu.memory_space<hbm>>
    %dma_start3A_307 = arith.constant 0 : i32
    %dma_start3A_308 = tpu.memref_slice %arg4[%add3A_304, %dma_start3A_307] : memref<8192x512xf32, #tpu.memory_space<hbm>> -> memref<16x512xf32, #tpu.memory_space<hbm>>
    tpu.enqueue_dma source(%arg18 : memref<16x512xf32, #tpu.memory_space<vmem>>) target(%dma_start3A_308 : memref<16x512xf32, #tpu.memory_space<hbm>>) target_semaphore(%arg46 : memref<!tpu.dma_semaphore, #tpu.memory_space<semaphore_mem>>)
    %dma_wait3A_309 = arith.constant 0 : i32
    %dma_wait3A_310 = tpu.memref_slice %arg4[%add3A_180, %dma_wait3A_309] : memref<8192x512xf32, #tpu.memory_space<hbm>> -> memref<16x512xf32, #tpu.memory_space<hbm>>
    %dma_wait3A_311 = arith.constant 0 : i32
    %dma_wait3A_312 = tpu.memref_slice %arg4[%add3A_180, %dma_wait3A_311] : memref<8192x512xf32, #tpu.memory_space<hbm>> -> memref<16x512xf32, #tpu.memory_space<hbm>>
    tpu.wait_dma2 semaphore(%arg39 : memref<!tpu.dma_semaphore, #tpu.memory_space<semaphore_mem>>) src(%arg11 : memref<16x512xf32, #tpu.memory_space<vmem>>) dst(%dma_wait3A_312 : memref<16x512xf32, #tpu.memory_space<hbm>>)
    %dma_start3A_313 = arith.constant 240 : i32
    %dma_start3A_314 = tpu.memref_slice %arg6[%dma_start3A_313] : memref<256xi32, #tpu.memory_space<vmem>> -> memref<16xi32, #tpu.memory_space<vmem>>
    %dma_start3A_315 = arith.constant 0 : i32
    %dma_start3A_316 = arith.constant 0 : i32
    %dma_start3A_317 = tpu.memref_slice %arg3[%dma_start3A_315, %dma_start3A_316] : memref<32128x512xf32, #tpu.memory_space<hbm>> -> memref<32128x512xf32, #tpu.memory_space<hbm>>
    tpu.enqueue_indirect_dma source(%dma_start3A_317 : memref<32128x512xf32, #tpu.memory_space<hbm>>) target(%arg11 : memref<16x512xf32, #tpu.memory_space<vmem>>) offsets(%dma_start3A_314 : memref<16xi32, #tpu.memory_space<vmem>>) semaphore(%arg35 : memref<!tpu.dma_semaphore, #tpu.memory_space<semaphore_mem>>)
    %dma_wait3A_318 = arith.constant 176 : i32
    %dma_wait3A_319 = tpu.memref_slice %arg6[%dma_wait3A_318] : memref<256xi32, #tpu.memory_space<vmem>> -> memref<16xi32, #tpu.memory_space<vmem>>
    %dma_wait3A_320 = arith.constant 0 : i32
    %dma_wait3A_321 = arith.constant 0 : i32
    %dma_wait3A_322 = tpu.memref_slice %arg3[%dma_wait3A_320, %dma_wait3A_321] : memref<32128x512xf32, #tpu.memory_space<hbm>> -> memref<32128x512xf32, #tpu.memory_space<hbm>>
    tpu.wait_indirect_dma semaphore(%arg31 : memref<!tpu.dma_semaphore, #tpu.memory_space<semaphore_mem>>) src(%dma_wait3A_322 : memref<32128x512xf32, #tpu.memory_space<hbm>>) dst(%arg19 : memref<16x512xf32, #tpu.memory_space<vmem>>)
    %add3A_323 = arith.constant 176 : i32
    %add3A_324 = arith.addi %mul3A_2, %add3A_323 : i32
    %dma_start3A_325 = arith.constant 0 : i32
    %dma_start3A_326 = tpu.memref_slice %arg4[%add3A_324, %dma_start3A_325] : memref<8192x512xf32, #tpu.memory_space<hbm>> -> memref<16x512xf32, #tpu.memory_space<hbm>>
    %dma_start3A_327 = arith.constant 0 : i32
    %dma_start3A_328 = tpu.memref_slice %arg4[%add3A_324, %dma_start3A_327] : memref<8192x512xf32, #tpu.memory_space<hbm>> -> memref<16x512xf32, #tpu.memory_space<hbm>>
    tpu.enqueue_dma source(%arg19 : memref<16x512xf32, #tpu.memory_space<vmem>>) target(%dma_start3A_328 : memref<16x512xf32, #tpu.memory_space<hbm>>) target_semaphore(%arg47 : memref<!tpu.dma_semaphore, #tpu.memory_space<semaphore_mem>>)
    %dma_wait3A_329 = arith.constant 192 : i32
    %dma_wait3A_330 = tpu.memref_slice %arg6[%dma_wait3A_329] : memref<256xi32, #tpu.memory_space<vmem>> -> memref<16xi32, #tpu.memory_space<vmem>>
    %dma_wait3A_331 = arith.constant 0 : i32
    %dma_wait3A_332 = arith.constant 0 : i32
    %dma_wait3A_333 = tpu.memref_slice %arg3[%dma_wait3A_331, %dma_wait3A_332] : memref<32128x512xf32, #tpu.memory_space<hbm>> -> memref<32128x512xf32, #tpu.memory_space<hbm>>
    tpu.wait_indirect_dma semaphore(%arg32 : memref<!tpu.dma_semaphore, #tpu.memory_space<semaphore_mem>>) src(%dma_wait3A_333 : memref<32128x512xf32, #tpu.memory_space<hbm>>) dst(%arg8 : memref<16x512xf32, #tpu.memory_space<vmem>>)
    %add3A_334 = arith.constant 192 : i32
    %add3A_335 = arith.addi %mul3A_2, %add3A_334 : i32
    %dma_start3A_336 = arith.constant 0 : i32
    %dma_start3A_337 = tpu.memref_slice %arg4[%add3A_335, %dma_start3A_336] : memref<8192x512xf32, #tpu.memory_space<hbm>> -> memref<16x512xf32, #tpu.memory_space<hbm>>
    %dma_start3A_338 = arith.constant 0 : i32
    %dma_start3A_339 = tpu.memref_slice %arg4[%add3A_335, %dma_start3A_338] : memref<8192x512xf32, #tpu.memory_space<hbm>> -> memref<16x512xf32, #tpu.memory_space<hbm>>
    tpu.enqueue_dma source(%arg8 : memref<16x512xf32, #tpu.memory_space<vmem>>) target(%dma_start3A_339 : memref<16x512xf32, #tpu.memory_space<hbm>>) target_semaphore(%arg48 : memref<!tpu.dma_semaphore, #tpu.memory_space<semaphore_mem>>)
    %dma_wait3A_340 = arith.constant 208 : i32
    %dma_wait3A_341 = tpu.memref_slice %arg6[%dma_wait3A_340] : memref<256xi32, #tpu.memory_space<vmem>> -> memref<16xi32, #tpu.memory_space<vmem>>
    %dma_wait3A_342 = arith.constant 0 : i32
    %dma_wait3A_343 = arith.constant 0 : i32
    %dma_wait3A_344 = tpu.memref_slice %arg3[%dma_wait3A_342, %dma_wait3A_343] : memref<32128x512xf32, #tpu.memory_space<hbm>> -> memref<32128x512xf32, #tpu.memory_space<hbm>>
    tpu.wait_indirect_dma semaphore(%arg33 : memref<!tpu.dma_semaphore, #tpu.memory_space<semaphore_mem>>) src(%dma_wait3A_344 : memref<32128x512xf32, #tpu.memory_space<hbm>>) dst(%arg9 : memref<16x512xf32, #tpu.memory_space<vmem>>)
    %add3A_345 = arith.constant 208 : i32
    %add3A_346 = arith.addi %mul3A_2, %add3A_345 : i32
    %dma_start3A_347 = arith.constant 0 : i32
    %dma_start3A_348 = tpu.memref_slice %arg4[%add3A_346, %dma_start3A_347] : memref<8192x512xf32, #tpu.memory_space<hbm>> -> memref<16x512xf32, #tpu.memory_space<hbm>>
    %dma_start3A_349 = arith.constant 0 : i32
    %dma_start3A_350 = tpu.memref_slice %arg4[%add3A_346, %dma_start3A_349] : memref<8192x512xf32, #tpu.memory_space<hbm>> -> memref<16x512xf32, #tpu.memory_space<hbm>>
    tpu.enqueue_dma source(%arg9 : memref<16x512xf32, #tpu.memory_space<vmem>>) target(%dma_start3A_350 : memref<16x512xf32, #tpu.memory_space<hbm>>) target_semaphore(%arg49 : memref<!tpu.dma_semaphore, #tpu.memory_space<semaphore_mem>>)
    %dma_wait3A_351 = arith.constant 224 : i32
    %dma_wait3A_352 = tpu.memref_slice %arg6[%dma_wait3A_351] : memref<256xi32, #tpu.memory_space<vmem>> -> memref<16xi32, #tpu.memory_space<vmem>>
    %dma_wait3A_353 = arith.constant 0 : i32
    %dma_wait3A_354 = arith.constant 0 : i32
    %dma_wait3A_355 = tpu.memref_slice %arg3[%dma_wait3A_353, %dma_wait3A_354] : memref<32128x512xf32, #tpu.memory_space<hbm>> -> memref<32128x512xf32, #tpu.memory_space<hbm>>
    tpu.wait_indirect_dma semaphore(%arg34 : memref<!tpu.dma_semaphore, #tpu.memory_space<semaphore_mem>>) src(%dma_wait3A_355 : memref<32128x512xf32, #tpu.memory_space<hbm>>) dst(%arg10 : memref<16x512xf32, #tpu.memory_space<vmem>>)
    %add3A_356 = arith.constant 224 : i32
    %add3A_357 = arith.addi %mul3A_2, %add3A_356 : i32
    %dma_start3A_358 = arith.constant 0 : i32
    %dma_start3A_359 = tpu.memref_slice %arg4[%add3A_357, %dma_start3A_358] : memref<8192x512xf32, #tpu.memory_space<hbm>> -> memref<16x512xf32, #tpu.memory_space<hbm>>
    %dma_start3A_360 = arith.constant 0 : i32
    %dma_start3A_361 = tpu.memref_slice %arg4[%add3A_357, %dma_start3A_360] : memref<8192x512xf32, #tpu.memory_space<hbm>> -> memref<16x512xf32, #tpu.memory_space<hbm>>
    tpu.enqueue_dma source(%arg10 : memref<16x512xf32, #tpu.memory_space<vmem>>) target(%dma_start3A_361 : memref<16x512xf32, #tpu.memory_space<hbm>>) target_semaphore(%arg50 : memref<!tpu.dma_semaphore, #tpu.memory_space<semaphore_mem>>)
    %dma_wait3A_362 = arith.constant 240 : i32
    %dma_wait3A_363 = tpu.memref_slice %arg6[%dma_wait3A_362] : memref<256xi32, #tpu.memory_space<vmem>> -> memref<16xi32, #tpu.memory_space<vmem>>
    %dma_wait3A_364 = arith.constant 0 : i32
    %dma_wait3A_365 = arith.constant 0 : i32
    %dma_wait3A_366 = tpu.memref_slice %arg3[%dma_wait3A_364, %dma_wait3A_365] : memref<32128x512xf32, #tpu.memory_space<hbm>> -> memref<32128x512xf32, #tpu.memory_space<hbm>>
    tpu.wait_indirect_dma semaphore(%arg35 : memref<!tpu.dma_semaphore, #tpu.memory_space<semaphore_mem>>) src(%dma_wait3A_366 : memref<32128x512xf32, #tpu.memory_space<hbm>>) dst(%arg11 : memref<16x512xf32, #tpu.memory_space<vmem>>)
    %add3A_367 = arith.constant 240 : i32
    %add3A_368 = arith.addi %mul3A_2, %add3A_367 : i32
    %dma_start3A_369 = arith.constant 0 : i32
    %dma_start3A_370 = tpu.memref_slice %arg4[%add3A_368, %dma_start3A_369] : memref<8192x512xf32, #tpu.memory_space<hbm>> -> memref<16x512xf32, #tpu.memory_space<hbm>>
    %dma_start3A_371 = arith.constant 0 : i32
    %dma_start3A_372 = tpu.memref_slice %arg4[%add3A_368, %dma_start3A_371] : memref<8192x512xf32, #tpu.memory_space<hbm>> -> memref<16x512xf32, #tpu.memory_space<hbm>>
    tpu.enqueue_dma source(%arg11 : memref<16x512xf32, #tpu.memory_space<vmem>>) target(%dma_start3A_372 : memref<16x512xf32, #tpu.memory_space<hbm>>) target_semaphore(%arg51 : memref<!tpu.dma_semaphore, #tpu.memory_space<semaphore_mem>>)
    %dma_wait3A_373 = arith.constant 0 : i32
    %dma_wait3A_374 = tpu.memref_slice %arg4[%add3A_196, %dma_wait3A_373] : memref<8192x512xf32, #tpu.memory_space<hbm>> -> memref<16x512xf32, #tpu.memory_space<hbm>>
    %dma_wait3A_375 = arith.constant 0 : i32
    %dma_wait3A_376 = tpu.memref_slice %arg4[%add3A_196, %dma_wait3A_375] : memref<8192x512xf32, #tpu.memory_space<hbm>> -> memref<16x512xf32, #tpu.memory_space<hbm>>
    tpu.wait_dma2 semaphore(%arg40 : memref<!tpu.dma_semaphore, #tpu.memory_space<semaphore_mem>>) src(%arg12 : memref<16x512xf32, #tpu.memory_space<vmem>>) dst(%dma_wait3A_376 : memref<16x512xf32, #tpu.memory_space<hbm>>)
    %dma_wait3A_377 = arith.constant 0 : i32
    %dma_wait3A_378 = tpu.memref_slice %arg4[%add3A_212, %dma_wait3A_377] : memref<8192x512xf32, #tpu.memory_space<hbm>> -> memref<16x512xf32, #tpu.memory_space<hbm>>
    %dma_wait3A_379 = arith.constant 0 : i32
    %dma_wait3A_380 = tpu.memref_slice %arg4[%add3A_212, %dma_wait3A_379] : memref<8192x512xf32, #tpu.memory_space<hbm>> -> memref<16x512xf32, #tpu.memory_space<hbm>>
    tpu.wait_dma2 semaphore(%arg41 : memref<!tpu.dma_semaphore, #tpu.memory_space<semaphore_mem>>) src(%arg13 : memref<16x512xf32, #tpu.memory_space<vmem>>) dst(%dma_wait3A_380 : memref<16x512xf32, #tpu.memory_space<hbm>>)
    %dma_wait3A_381 = arith.constant 0 : i32
    %dma_wait3A_382 = tpu.memref_slice %arg4[%add3A_228, %dma_wait3A_381] : memref<8192x512xf32, #tpu.memory_space<hbm>> -> memref<16x512xf32, #tpu.memory_space<hbm>>
    %dma_wait3A_383 = arith.constant 0 : i32
    %dma_wait3A_384 = tpu.memref_slice %arg4[%add3A_228, %dma_wait3A_383] : memref<8192x512xf32, #tpu.memory_space<hbm>> -> memref<16x512xf32, #tpu.memory_space<hbm>>
    tpu.wait_dma2 semaphore(%arg42 : memref<!tpu.dma_semaphore, #tpu.memory_space<semaphore_mem>>) src(%arg14 : memref<16x512xf32, #tpu.memory_space<vmem>>) dst(%dma_wait3A_384 : memref<16x512xf32, #tpu.memory_space<hbm>>)
    %dma_wait3A_385 = arith.constant 0 : i32
    %dma_wait3A_386 = tpu.memref_slice %arg4[%add3A_244, %dma_wait3A_385] : memref<8192x512xf32, #tpu.memory_space<hbm>> -> memref<16x512xf32, #tpu.memory_space<hbm>>
    %dma_wait3A_387 = arith.constant 0 : i32
    %dma_wait3A_388 = tpu.memref_slice %arg4[%add3A_244, %dma_wait3A_387] : memref<8192x512xf32, #tpu.memory_space<hbm>> -> memref<16x512xf32, #tpu.memory_space<hbm>>
    tpu.wait_dma2 semaphore(%arg43 : memref<!tpu.dma_semaphore, #tpu.memory_space<semaphore_mem>>) src(%arg15 : memref<16x512xf32, #tpu.memory_space<vmem>>) dst(%dma_wait3A_388 : memref<16x512xf32, #tpu.memory_space<hbm>>)
    %dma_wait3A_389 = arith.constant 0 : i32
    %dma_wait3A_390 = tpu.memref_slice %arg4[%add3A_264, %dma_wait3A_389] : memref<8192x512xf32, #tpu.memory_space<hbm>> -> memref<16x512xf32, #tpu.memory_space<hbm>>
    %dma_wait3A_391 = arith.constant 0 : i32
    %dma_wait3A_392 = tpu.memref_slice %arg4[%add3A_264, %dma_wait3A_391] : memref<8192x512xf32, #tpu.memory_space<hbm>> -> memref<16x512xf32, #tpu.memory_space<hbm>>
    tpu.wait_dma2 semaphore(%arg44 : memref<!tpu.dma_semaphore, #tpu.memory_space<semaphore_mem>>) src(%arg16 : memref<16x512xf32, #tpu.memory_space<vmem>>) dst(%dma_wait3A_392 : memref<16x512xf32, #tpu.memory_space<hbm>>)
    %dma_wait3A_393 = arith.constant 0 : i32
    %dma_wait3A_394 = tpu.memref_slice %arg4[%add3A_284, %dma_wait3A_393] : memref<8192x512xf32, #tpu.memory_space<hbm>> -> memref<16x512xf32, #tpu.memory_space<hbm>>
    %dma_wait3A_395 = arith.constant 0 : i32
    %dma_wait3A_396 = tpu.memref_slice %arg4[%add3A_284, %dma_wait3A_395] : memref<8192x512xf32, #tpu.memory_space<hbm>> -> memref<16x512xf32, #tpu.memory_space<hbm>>
    tpu.wait_dma2 semaphore(%arg45 : memref<!tpu.dma_semaphore, #tpu.memory_space<semaphore_mem>>) src(%arg17 : memref<16x512xf32, #tpu.memory_space<vmem>>) dst(%dma_wait3A_396 : memref<16x512xf32, #tpu.memory_space<hbm>>)
    %dma_wait3A_397 = arith.constant 0 : i32
    %dma_wait3A_398 = tpu.memref_slice %arg4[%add3A_304, %dma_wait3A_397] : memref<8192x512xf32, #tpu.memory_space<hbm>> -> memref<16x512xf32, #tpu.memory_space<hbm>>
    %dma_wait3A_399 = arith.constant 0 : i32
    %dma_wait3A_400 = tpu.memref_slice %arg4[%add3A_304, %dma_wait3A_399] : memref<8192x512xf32, #tpu.memory_space<hbm>> -> memref<16x512xf32, #tpu.memory_space<hbm>>
    tpu.wait_dma2 semaphore(%arg46 : memref<!tpu.dma_semaphore, #tpu.memory_space<semaphore_mem>>) src(%arg18 : memref<16x512xf32, #tpu.memory_space<vmem>>) dst(%dma_wait3A_400 : memref<16x512xf32, #tpu.memory_space<hbm>>)
    %dma_wait3A_401 = arith.constant 0 : i32
    %dma_wait3A_402 = tpu.memref_slice %arg4[%add3A_324, %dma_wait3A_401] : memref<8192x512xf32, #tpu.memory_space<hbm>> -> memref<16x512xf32, #tpu.memory_space<hbm>>
    %dma_wait3A_403 = arith.constant 0 : i32
    %dma_wait3A_404 = tpu.memref_slice %arg4[%add3A_324, %dma_wait3A_403] : memref<8192x512xf32, #tpu.memory_space<hbm>> -> memref<16x512xf32, #tpu.memory_space<hbm>>
    tpu.wait_dma2 semaphore(%arg47 : memref<!tpu.dma_semaphore, #tpu.memory_space<semaphore_mem>>) src(%arg19 : memref<16x512xf32, #tpu.memory_space<vmem>>) dst(%dma_wait3A_404 : memref<16x512xf32, #tpu.memory_space<hbm>>)
    %dma_wait3A_405 = arith.constant 0 : i32
    %dma_wait3A_406 = tpu.memref_slice %arg4[%add3A_335, %dma_wait3A_405] : memref<8192x512xf32, #tpu.memory_space<hbm>> -> memref<16x512xf32, #tpu.memory_space<hbm>>
    %dma_wait3A_407 = arith.constant 0 : i32
    %dma_wait3A_408 = tpu.memref_slice %arg4[%add3A_335, %dma_wait3A_407] : memref<8192x512xf32, #tpu.memory_space<hbm>> -> memref<16x512xf32, #tpu.memory_space<hbm>>
    tpu.wait_dma2 semaphore(%arg48 : memref<!tpu.dma_semaphore, #tpu.memory_space<semaphore_mem>>) src(%arg8 : memref<16x512xf32, #tpu.memory_space<vmem>>) dst(%dma_wait3A_408 : memref<16x512xf32, #tpu.memory_space<hbm>>)
    %dma_wait3A_409 = arith.constant 0 : i32
    %dma_wait3A_410 = tpu.memref_slice %arg4[%add3A_346, %dma_wait3A_409] : memref<8192x512xf32, #tpu.memory_space<hbm>> -> memref<16x512xf32, #tpu.memory_space<hbm>>
    %dma_wait3A_411 = arith.constant 0 : i32
    %dma_wait3A_412 = tpu.memref_slice %arg4[%add3A_346, %dma_wait3A_411] : memref<8192x512xf32, #tpu.memory_space<hbm>> -> memref<16x512xf32, #tpu.memory_space<hbm>>
    tpu.wait_dma2 semaphore(%arg49 : memref<!tpu.dma_semaphore, #tpu.memory_space<semaphore_mem>>) src(%arg9 : memref<16x512xf32, #tpu.memory_space<vmem>>) dst(%dma_wait3A_412 : memref<16x512xf32, #tpu.memory_space<hbm>>)
    %dma_wait3A_413 = arith.constant 0 : i32
    %dma_wait3A_414 = tpu.memref_slice %arg4[%add3A_357, %dma_wait3A_413] : memref<8192x512xf32, #tpu.memory_space<hbm>> -> memref<16x512xf32, #tpu.memory_space<hbm>>
    %dma_wait3A_415 = arith.constant 0 : i32
    %dma_wait3A_416 = tpu.memref_slice %arg4[%add3A_357, %dma_wait3A_415] : memref<8192x512xf32, #tpu.memory_space<hbm>> -> memref<16x512xf32, #tpu.memory_space<hbm>>
    tpu.wait_dma2 semaphore(%arg50 : memref<!tpu.dma_semaphore, #tpu.memory_space<semaphore_mem>>) src(%arg10 : memref<16x512xf32, #tpu.memory_space<vmem>>) dst(%dma_wait3A_416 : memref<16x512xf32, #tpu.memory_space<hbm>>)
    %dma_wait3A_417 = arith.constant 0 : i32
    %dma_wait3A_418 = tpu.memref_slice %arg4[%add3A_368, %dma_wait3A_417] : memref<8192x512xf32, #tpu.memory_space<hbm>> -> memref<16x512xf32, #tpu.memory_space<hbm>>
    %dma_wait3A_419 = arith.constant 0 : i32
    %dma_wait3A_420 = tpu.memref_slice %arg4[%add3A_368, %dma_wait3A_419] : memref<8192x512xf32, #tpu.memory_space<hbm>> -> memref<16x512xf32, #tpu.memory_space<hbm>>
    tpu.wait_dma2 semaphore(%arg51 : memref<!tpu.dma_semaphore, #tpu.memory_space<semaphore_mem>>) src(%arg11 : memref<16x512xf32, #tpu.memory_space<vmem>>) dst(%dma_wait3A_420 : memref<16x512xf32, #tpu.memory_space<hbm>>)
    %dma_wait3A_421 = tpu.memref_slice %arg5[%select_n3A, %mul3A_34] : memref<8x1024xf32, #tpu.memory_space<hbm>> -> memref<1x256xf32, #tpu.memory_space<hbm>>
    %dma_wait3A_422 = tpu.memref_squeeze %dma_wait3A_421 : memref<1x256xf32, #tpu.memory_space<hbm>> -> memref<256xf32, #tpu.memory_space<hbm>>
    %dma_wait3A_423 = tpu.memref_slice %arg5[%select_n3A, %mul3A_34] : memref<8x1024xf32, #tpu.memory_space<hbm>> -> memref<1x256xf32, #tpu.memory_space<hbm>>
    %dma_wait3A_424 = tpu.memref_squeeze %dma_wait3A_423 : memref<1x256xf32, #tpu.memory_space<hbm>> -> memref<256xf32, #tpu.memory_space<hbm>>
    tpu.wait_dma2 semaphore(%arg52 : memref<!tpu.dma_semaphore, #tpu.memory_space<semaphore_mem>>) src(%arg7 : memref<256xf32, #tpu.memory_space<vmem>>) dst(%dma_wait3A_424 : memref<256xf32, #tpu.memory_space<hbm>>)
    return
  }
}

</mosaic_0001>

<sc_bundles>
// kernel: kernel.3.cloned.1.call-start
scs
__scs_entry_jumppad:
0x0: {  	(pc) =	sbr.rel $0x88, $3  }
0x1: {  	(tag) =	ssettag $0x0;
	lr =	simm.s32 $0x1  }
0x2: {  	[smem:$0x3F9F] =	sst lr;
	_ =	strace $0xD0000000  }
0x3: {  	_ = 	snop  }
0x4: {  	_ = 	snop  }
0x5: {  	_ = 	snop  }
0x6: {  	_ = 	snop  }
0x7: {  	_ = 	snop  }
__scs_overlays_trampoline_lowered:
0x8: {  	[smem:$0x3FAE] =	sst s0  }
0x9: {  	[smem:$0x3FAF] =	sst s1  }
0xa: {  	[smem:$0x3FB0] =	sst s2  }
0xb: {  	[smem:$0x3FB1] =	sst s3  }
0xc: {  	[smem:$0x3FB2] =	sst s4  }
0xd: {  	[smem:$0x3FB3] =	sst s5  }
0xe: {  	[smem:$0x3FB4] =	sst s6  }
0xf: {  	[smem:$0x3FB5] =	sst s7  }
0x10: {  	[smem:$0x3FB6] =	sst s8  }
0x11: {  	[smem:$0x3FB7] =	sst s9;
	s0 =	simm.s32 @!p0 $0x0  }
0x12: {  	s1 =	sld [smem:$0x3F9D];
	s0 =	simm.s32 @p0 $0x1  }
0x13: {  	[smem:$0x3FB8] =	sst s0;
	s0 =	simm.s32 @!p1 $0x0  }
0x14: {  	s2 =	sld [smem:$0x3F9C];
	s0 =	simm.s32 @p1 $0x1  }
0x15: {  	[smem:$0x3FB9] =	sst s0;
	s0 =	simm.s32 @!p2 $0x0  }
0x16: {  	s3 =	sld [smem:$0x3FDB];
	s0 =	simm.s32 @p2 $0x1  }
0x17: {  	s4 =	simm.s32 $0x1BF5;
	[smem:$0x3FBB] =	sst s0  }
0x18: {  	s0 =	sld [smem:$0x3F9E];
	_ =	swait.ge [sflag:s4], $0x0  }
0x19: {  	s7 =	sld [smem:$0x3F9F]  }
0x1a: {  	s8 =	sadd.s32 $0xFFFFE003, lr  }
0x1b: {  	s9 =	sadd.s32 $0xFFFFFEF7, lr;
	s5 =	simm.s32 $0xFFFFFFFF;
	p2 =	slt.u32 s8, $0xFFFFF086  }
0x1c: {  	p1 =	slt.u32 s9, $0xF7A;
	s5 =	simm.s32 @!p2 $0x0  }
0x1d: {  	s5 =	simm.s32 @p1 $0x1;
	p0 =	seq.s32 s7, s2  }
0x1e: {  	s7 =	smul.u32 @!p0 $0xF7A, s2;
	p2 =	seq.s32 @!p0 s5, $0x0  }
0x1f: {  	s9 =	smul.u32 $0xF7A, s1;
	s8 =	simm.s32 @!p0 $0x1BF5;
	p2 =	por !p2, p0  }
0x20: {  	[sflag:s8] =	ssyncset.s32 @!p0 $0xFFFFF086;
	s6 =	sadd.s32 @!p0 s3, s7;
	s7 =	simm.s32 @!p0 $0x108  }
0x21: {  	s3 =	sadd.s32 s3, s9;
	s6 =	sadd.s32 @!p0 $0x88, s6;
	s7 =	simm.s32 @p2 $0x1082  }
0x22: {  	[simem:s7], [sflag:s8] =	dma.local @!p0 [hbm:s6], $0xF7A  }
0x23: {  	s9 =	sor.u32 $0xD0000000, s2;
	s6 =	simm.s32 $0x108;
	_ =	swait.ge @!p0 [sflag:s8], $0x0  }
0x24: {  	s3 =	sadd.s32 $0x88, s3;
	s6 =	simm.s32 @!p1 $0x1082;
	[sflag:s4] =	ssyncset.s32 $0xFFFFF086  }
0x25: {  	[simem:s6], [sflag:s4] =	dma.local [hbm:s3], $0xF7A  }
0x26: {  	[smem:$0x3F9F] =	sst s1;
	(tag) =	ssettag s2;
	_ =	strace s9  }
0x27: {  	s1 =	sld [smem:$0x3FAF]  }
0x28: {  	s2 =	sld [smem:$0x3FB0]  }
0x29: {  	s4 =	sld [smem:$0x3FB2]  }
0x2a: {  	p0 =	seq.s32 s5, $0x0;
	s5 =	sld [smem:$0x3FB3]  }
0x2b: {  	s6 =	sld [smem:$0x3FB4]  }
0x2c: {  	s7 =	sld [smem:$0x3FB5]  }
0x2d: {  	s3 =	simm.s32 $0x108;
	s8 =	sld [smem:$0x3FB6]  }
0x2e: {  	s3 =	simm.s32 @!p0 $0x1082;
	s9 =	sld [smem:$0x3FB7]  }
0x2f: {  	lr =	sadd.s32 s0, s3;
	s0 =	sld [smem:$0x3FAE]  }
0x30: {  	s3 =	sld [smem:$0x3FB1]  }
0x31: {  	[smem:$0x3FBA] =	sst s10  }
0x32: {  	s10 =	sld [smem:$0x3FB8];
	_ =	sdelay $0x3  }
0x33: {  	p0 =	seq.s32 s10, $0x1;
	s10 =	sld [smem:$0x3FBA];
	_ =	sdelay $0x3  }
0x34: {  	[smem:$0x3FBA] =	sst s10  }
0x35: {  	s10 =	sld [smem:$0x3FB9];
	_ =	sdelay $0x3  }
0x36: {  	p1 =	seq.s32 s10, $0x1;
	s10 =	sld [smem:$0x3FBA];
	_ =	sdelay $0x3  }
0x37: {  	[smem:$0x3FBA] =	sst s10  }
0x38: {  	s10 =	sld [smem:$0x3FBB]  }
0x39: {  	_ = 	snop;
	(pc) =	sbr.ind lr, $3  }
0x3a: {  	_ = 	snop  }
0x3b: {  	_ = 	snop  }
0x3c: {  	p2 =	seq.s32 s10, $0x1;
	s10 =	sld [smem:$0x3FBA]  }
0x3d: {  	_ =	shalt  }
0x3e: {  	_ =	shalt  }
0x3f: {  	_ =	shalt  }
0x40: {  	_ =	shalt  }
0x41: {  	_ =	shalt  }
0x42: {  	_ =	shalt  }
0x43: {  	_ =	shalt  }
0x44: {  	_ =	shalt  }
0x45: {  	_ =	shalt  }
0x46: {  	_ =	shalt  }
0x47: {  	_ =	shalt  }
0x48: {  	_ =	shalt  }
0x49: {  	_ =	shalt  }
0x4a: {  	_ =	shalt  }
0x4b: {  	_ =	shalt  }
0x4c: {  	_ =	shalt  }
0x4d: {  	_ =	shalt  }
0x4e: {  	_ =	shalt  }
0x4f: {  	_ =	shalt  }
0x50: {  	_ =	shalt  }
0x51: {  	_ =	shalt  }
0x52: {  	_ =	shalt  }
0x53: {  	_ =	shalt  }
0x54: {  	_ =	shalt  }
0x55: {  	_ =	shalt  }
0x56: {  	_ =	shalt  }
0x57: {  	_ =	shalt  }
0x58: {  	_ =	shalt  }
0x59: {  	_ =	shalt  }
0x5a: {  	_ =	shalt  }
0x5b: {  	_ =	shalt  }
0x5c: {  	_ =	shalt  }
0x5d: {  	_ =	shalt  }
0x5e: {  	_ =	shalt  }
0x5f: {  	_ =	shalt  }
0x60: {  	_ =	shalt  }
0x61: {  	_ =	shalt  }
0x62: {  	_ =	shalt  }
0x63: {  	_ =	shalt  }
0x64: {  	_ =	shalt  }
0x65: {  	_ =	shalt  }
0x66: {  	_ =	shalt  }
0x67: {  	_ =	shalt  }
0x68: {  	_ =	shalt  }
0x69: {  	_ =	shalt  }
0x6a: {  	_ =	shalt  }
0x6b: {  	_ =	shalt  }
0x6c: {  	_ =	shalt  }
0x6d: {  	_ =	shalt  }
0x6e: {  	_ =	shalt  }
0x6f: {  	_ =	shalt  }
0x70: {  	_ =	shalt  }
0x71: {  	_ =	shalt  }
0x72: {  	_ =	shalt  }
0x73: {  	_ =	shalt  }
0x74: {  	_ =	shalt  }
0x75: {  	_ =	shalt  }
0x76: {  	_ =	shalt  }
0x77: {  	_ =	shalt  }
0x78: {  	_ =	shalt  }
0x79: {  	_ =	shalt  }
0x7a: {  	_ =	shalt  }
0x7b: {  	_ =	shalt  }
0x7c: {  	_ =	shalt  }
0x7d: {  	_ =	shalt  }
0x7e: {  	_ =	shalt  }
0x7f: {  	_ =	shalt  }
0x80: {  	_ =	shalt  }
0x81: {  	_ =	shalt  }
0x82: {  	_ =	shalt  }
0x83: {  	_ =	shalt  }
0x84: {  	_ =	shalt  }
0x85: {  	_ =	shalt  }
0x86: {  	_ =	shalt  }
0x87: {  	_ =	shalt  }
.Lfunc_end0:
.L_simem_size_0:
called_computation_lowered:
.L_overlay_start_0:
0x88: {  	s2 =	sld [smem:$0x3FD9]  }
0x89: {  	s3 =	sld [smem:$0x3FFE];
	_ =	sdelay $0x1  }
0x8a: {  	s1 =	srdreg.scid  }
0x8b: {  	s0 =	sand.u32 $0x1, s1  }
0x8c: {  	s15 =	sshll.u32 s0, $0xA;
	s2 =	sadd.s32 s3, s2  }
0x8d: {  	s2 =	sadd.s32 s2, s15  }
0x8e: {  	[smem:$0x3FC6] =	sst s2  }
0x8f: {  	_ = 	snop  }
0x90: {  	s2 =	sld [smem:$0x3FD0];
	_ =	sdelay $0x1  }
0x91: {  	s16 =	sld [smem:$0x3FC9]  }
0x92: {  	s5 =	simm.s32 $0xA;
	s6 =	simm.s32 $0x10;
	s4 =	sld [smem:$0x3FC8]  }
0x93: {  	[smem:s6], [sflag:s5] =	dma.local [hbm:s2], $0x1  }
0x94: {  	_ =	swait.eq [sflag:s5], $0x1  }
0x95: {  	[sflag:s5] =	ssyncset.done $0x0  }
0x96: {  	s17 =	sld [smem:$0x10];
	[sflag:s5] =	ssyncadd.s32 $0xFFFFFFFF  }
0x97: {  	s18 =	sld [smem:$0x11];
	(tm) =	ssettm $0x1  }
0x98: {  	s19 =	sld [smem:$0x3FFB];
	_ =	sdelay $0x3  }
0x99: {  	_ =	strace s19  }
0x9a: {  	s6 =	sld [smem:$0x3FFC];
	_ =	sdelay $0x3  }
0x9b: {  	_ =	strace s6  }
0x9c: {  	s6 =	sld [smem:$0x3FFD];
	_ =	sdelay $0x3  }
0x9d: {  	_ =	strace s6  }
0x9e: {  	_ =	strace $0x8FFFFFFF  }
0x9f: {  	s20 =	sld [smem:$0x3FDB];
	_ =	sdelay $0x1  }
0xa0: {  	s7 =	simm.s32 $_scs_section_size  }
0xa1: {  	s8 =	simm.s32 $_size__tile_overlayer_lowered;
	s9 =	simm.s32 $_tile_overlayer_lowered  }
0xa2: {  	s23 =	simm.s32 $0x1BFF;
	s22 =	sshll.u32 s9, $0x1;
	s6 =	sadd.s32 s7, s20  }
0xa3: {  	s10 =	simm.s32 $0x0;
	s21 =	sshll.u32 s8, $0x1;
	s8 =	sadd.s32 s22, s6  }
0xa4: {  	[timem:s10], [sflag:s23] =	dma.local [hbm:s8], s21  }
0xa5: {  	_ =	swait.ge [sflag:s23], s21  }
0xa6: {  	s7 =	ssub.s32 $0x0, s21;
	[sflag:s23] =	ssyncset.done $0x0  }
0xa7: {  	[sflag:s23] =	ssyncadd.s32 s7;
	_ =	sdelay $0x1  }
0xa8: {  	s24 =	simm.s32 $0x1B8B  }
0xa9: {  	_ =	swait.ge [sflag:s24], $0x1  }
0xaa: {  	[sflag:s24] =	ssyncset.done $0x0  }
0xab: {  	s25 =	simm.s32 $0x1B8E;
	[sflag:s24] =	ssyncadd.s32 $0xFFFFFFFF  }
0xac: {  	s26 =	simm.s32 $execute0_lowered;
	[smem:$0x3FD2] =	sst s25  }
0xad: {  	s7 =	sshll.u32 s26, $0x1;
	_ =	strace $0x80000046;
	[dreg:$0x1] =	wrdreg $0xFFFFFFFF  }
0xae: {  	s28 =	simm.s32 $_size_execute0_lowered;
	s6 =	sadd.s32 s6, s7;
	[dreg:$0x0] =	wrdreg $0x0  }
0xaf: {  	s7 =	sshll.u32 s28, $0x1;
	[dreg:$0x2] =	wrdreg s6  }
0xb0: {  	[dreg:$0x3] =	wrdreg s7  }
0xb1: {  	[dreg:$0x4] =	wrdreg $0xC0  }
0xb2: {  	_ =	task [dreg:s10], $0x5FFFF  }
0xb3: {  	[dreg:$0x1] =	wrdreg $0xFFFFFFFF  }
0xb4: {  	[dreg:$0x0] =	wrdreg $0x60  }
0xb5: {  	[dreg:$0x2] =	wrdreg s16  }
0xb6: {  	[dreg:$0x3] =	wrdreg s4  }
0xb7: {  	[dreg:$0x4] =	wrdreg s18  }
0xb8: {  	[dreg:$0x5] =	wrdreg s17  }
0xb9: {  	[dreg:$0x6] =	wrdreg $0x9  }
0xba: {  	_ =	task.clear_ibuf [dreg:s10], $0x7FFFF;
	_ =	strace $0x90000046  }
0xbb: {  	s29 =	simm.s32 $0x9;
	_ =	strace $0x80000048  }
0xbc: {  	_ =	swait.ge [sflag:s29], $0x1  }
0xbd: {  	[sflag:s29] =	ssyncadd.s32 $0xFFFFFFFF  }
0xbe: {  	_ =	strace $0x90000048  }
0xbf: {  	_ =	sfence  }
0xc0: {  	s30 =	sld [smem:$0x0];
	_ =	sdelay $0x2  }
0xc1: {  	s31 =	sshll.u32 s1, $0xD;
	s1 =	sshrl.u32 s1, $0x2  }
0xc2: {  	s3 =	sand.u32 $0x4000, s31;
	s1 =	sadd.s32 s1, s30  }
0xc3: {  	s0 =	sor.u32 s3, s0;
	s1 =	sshll.u32 s1, $0x11  }
0xc4: {  	s0 =	sor.u32 s1, s0  }
0xc5: {  	s0 =	sadd.s32 $0x8F2B, s0  }
0xc6: {  	[sflag:s0] =	ssyncadd.remote.s32 $0x1  }
0xc7: {  	_ =	sfence.sel $0xFFFF  }
0xc8: {  	[dreg:$0x0] =	wrdreg $0xFFFFFFFF;
	(pc) =	sbr.abs _section_cstart, $3  }
0xc9: {  	[dreg:$0x1] =	wrdreg $0xFFFFFFFF  }
0xca: {  	_ =	task.clear_ibuf [dreg:s10], $0x2FFFF;
	_ =	strace $0x9FFFFFFF  }
0xcb: {  	(tm) =	ssettm $0x7FFFFFFF  }
tec
execute0_lowered:
.L_overlay_start_1:
0x0: {  	(tag) =	ssettag $0x1  }
0x1: {  	s0 =	rddreg [dreg:$0x0];
	s2 =	srdreg.scid  }
0x2: {  	s8 =	stileid.u32;
	s1 =	rddreg [dreg:$0x1]  }
0x3: {  	s4 =	rddreg [dreg:$0x2];
	s2 =	sand.u32 $0x1, s2;
	s3 =	sshll.u32 s8, $0x1  }
0x4: {  	s6 =	rddreg [dreg:$0x3];
	s5 =	sor.u32 s2, s3;
	s3 =	simm.s32 $0x0  }
0x5: {  	s26 =	simm.s32 $0x8A00;
	s30 =	simm.s32 $0x9200;
	[smem:$0x7FF] =	sst s3  }
0x6: {  	s9 =	simm.s32 $0xBA00;
	_ =	strace $0x80000047;
	[dreg:$0x16] =	wrdreg s26  }
0x7: {  	s7 =	sshll.u32 s5, $0x8;
	s5 =	sshll.u32 s5, $0xE;
	[dreg:$0x17] =	wrdreg s30  }
0x8: {  	s4 =	sadd.s32 s4, s5;
	[dreg:$0x1c] =	wrdreg s9  }
0x9: {  	s8 =	sshll.u32 s8, $0x3;
	s5 =	simm.s32 $0x100;
	[smem:$0x7EE] =	sst s4  }
0xa: {  	s7 =	sor.u32 s8, s7;
	s8 =	simm.s32 $0xB200;
	[dreg:$0x19] =	wrdreg s5  }
0xb: {  	s26 =	simm.s32 $0x17200;
	[dreg:$0x1b] =	wrdreg s8  }
0xc: {  	s30 =	simm.s32 $0x17A00;
	[smem:$0x7FC] =	sst s26  }
0xd: {  	s11 =	sadd.s32 $0x400, s4;
	[smem:$0x7FD] =	sst s30  }
0xe: {  	s12 =	sadd.s32 $0x800, s4;
	[dreg:$0x7] =	wrdreg s11  }
0xf: {  	s13 =	sadd.s32 $0xC00, s4;
	[dreg:$0x8] =	wrdreg s12  }
0x10: {  	s14 =	sadd.s32 $0x1000, s4;
	[dreg:$0x9] =	wrdreg s13  }
0x11: {  	s15 =	sadd.s32 $0x1400, s4;
	[dreg:$0xa] =	wrdreg s14  }
0x12: {  	s16 =	sadd.s32 $0x1800, s4;
	[dreg:$0xb] =	wrdreg s15  }
0x13: {  	s17 =	sadd.s32 $0x1C00, s4;
	[dreg:$0xc] =	wrdreg s16  }
0x14: {  	s18 =	sadd.s32 $0x2000, s4;
	[dreg:$0xd] =	wrdreg s17  }
0x15: {  	s19 =	sadd.s32 $0x2400, s4;
	[dreg:$0xe] =	wrdreg s18  }
0x16: {  	s20 =	sadd.s32 $0x2800, s4;
	[dreg:$0xf] =	wrdreg s19  }
0x17: {  	s21 =	sadd.s32 $0x2C00, s4;
	[dreg:$0x10] =	wrdreg s20  }
0x18: {  	s22 =	sadd.s32 $0x3000, s4;
	[dreg:$0x11] =	wrdreg s21  }
0x19: {  	s23 =	sadd.s32 $0x3400, s4;
	[dreg:$0x12] =	wrdreg s22  }
0x1a: {  	s24 =	sadd.s32 $0x3800, s4;
	[dreg:$0x13] =	wrdreg s23  }
0x1b: {  	s25 =	sadd.s32 $0x3C00, s4;
	[dreg:$0x14] =	wrdreg s24  }
0x1c: {  	s7 =	sand.u32 $0x370, s7;
	s4 =	simm.s32 $0x9A00;
	[dreg:$0x15] =	wrdreg s25  }
0x1d: {  	s0 =	sadd.s32 s0, s7;
	[dreg:$0x18] =	wrdreg s4  }
0x1e: {  	s10 =	sadd.s32 s6, s7;
	[dreg:$0x5] =	wrdreg s0  }
0x1f: {  	s6 =	simm.s32 $0xAA00;
	[dreg:$0x6] =	wrdreg s10  }
0x20: {  	s11 =	simm.s32 $0xD200;
	[dreg:$0x1a] =	wrdreg s6  }
0x21: {  	s12 =	simm.s32 $0xDA00;
	[dreg:$0x1e] =	wrdreg s11  }
0x22: {  	s13 =	simm.s32 $0xEA00;
	[dreg:$0x1f] =	wrdreg s12  }
0x23: {  	s28 =	simm.s32 $0x21;
	s14 =	simm.s32 $0xF200;
	[smem:$0x7EF] =	sst s13  }
0x24: {  	s29 =	simm.s32 $0x3A00;
	s15 =	simm.s32 $0xFA00;
	[smem:$0x7F0] =	sst s14  }
0x25: {  	s31 =	simm.s32 $0x4A00;
	s16 =	simm.s32 $0x10A00;
	[smem:$0x7F1] =	sst s15  }
0x26: {  	s2 =	ssub.s32 $0x2, s2;
	s17 =	simm.s32 $0x11200;
	[smem:$0x7F2] =	sst s16  }
0x27: {  	s9 =	simm.s32 $0x22;
	s18 =	simm.s32 $0x11A00;
	[smem:$0x7F3] =	sst s17  }
0x28: {  	s5 =	sadd.s32 $0x100, s1;
	s19 =	simm.s32 $0x12A00;
	[smem:$0x7F4] =	sst s18  }
0x29: {  	s8 =	simm.s32 $0x5A00;
	s20 =	simm.s32 $0x13200;
	[smem:$0x7F5] =	sst s19  }
0x2a: {  	s7 =	sshrl.u32 s2, $0x1;
	s21 =	simm.s32 $0x13A00;
	[smem:$0x7F6] =	sst s20  }
0x2b: {  	s22 =	simm.s32 $0x14A00;
	s23 =	simm.s32 $0x15200;
	[smem:$0x7F7] =	sst s21  }
0x2c: {  	s24 =	simm.s32 $0x15A00;
	s25 =	simm.s32 $0x16A00;
	[smem:$0x7F8] =	sst s22  }
0x2d: {  	s4 =	simm.s32 $0x20;
	s2 =	ssub.s32 s2, s7;
	[smem:$0x7F9] =	sst s23  }
0x2e: {  	s10 =	simm.s32 $0xCA00;
	s14 =	simm.s32 $0x2200;
	[smem:$0x7FA] =	sst s24  }
0x2f: {  	s18 =	simm.s32 $0x4200;
	[smem:$0x7FB] =	sst s25;
	s22 =	simm.s32 $0x6200  }
0x30: {  	s24 =	simm.s32 $0x1F;
	s11 =	simm.s32 $0x1200;
	s13 =	simm.s32 $0x1A00  }
0x31: {  	v2 =	vlaneseq.u32;
	s16 =	simm.s32 $0x2A00;
	s19 =	simm.s32 $0x3200;
	s12 =	simm.s32 $0x6A00  }
0x32: {  	vm0 =	vmmov $0xffff;
	v3 =	vimm.f32 $1.000000000e+00;
	v1 =	vshrl.u32 v2, $0x3;
	s15 =	simm.s32 $0x7200;
	s17 =	simm.s32 $0x7A00;
	s23 =	simm.s32 $0x10200  }
0x33: {  	v0 =	vand.u32 $0x7, v2;
	v2 =	vor.u32 $0x8, v2;
	v1 =	vmul.u32 $0x8, v1;
	s6 =	smax.u32 s2, $0x1;
	[dreg:$0x1d] =	wrdreg s10;
	s10 =	simm.s32 $0x200  }
.LBB2_1:
0x34: {  	s25 =	rddreg [dreg:$0x5];
	s30 =	simm.s32 $0x80;
	s2 =	simm.s32 $0x400  }
0x35: {  	[tilespmem:s3], [sflag:s9] =	stream.strided.gather [hbm4b:s25+s30], $0x100, s2, s30, $0x38;
	[tilespmem:$0x18200] =	vst v63  }
0x36: {  	_ =	swait.ge [sflag:s9], $0x100  }
0x37: {  	[sflag:s9] =	ssyncset.done $0x0  }
0x38: {  	[sflag:s9] =	ssyncadd.s32 $0xFFFFFF00  }
0x39: {  	v4 =	vld [tilespmem:$0x0];
	_ =	sdelay $0x4  }
0x3a: {  	v5 =	vshll.u32 v4, $0x2  }
0x3b: {  	v4 =	vand.u32 $0x7, v4;
	v5 =	vand.u32 $0xFFFFFFE0, v5  }
0x3c: {  	v4 =	vor.u32 v4, v5  }
0x3d: {  	v5 =	vperm.xlane v4, v0;
	_ =	sdelay $0x1  }
0x3e: {  	v5 =	vadd.s32 v1, v5;
	_ =	sdelay $0x1  }
0x3f: {  	v4 =	vperm.xlane v4, v2;
	_ =	sdelay $0x1  }
0x40: {  	v4 =	vadd.s32 v1, v4  }
0x41: {  	[tilespmem:s10], [sflag:$0x1] =	stream.indirect_vreg.gather [hbm4b:s1+s3], $0x80, v5, vm0, $0xb8;
	[tilespmem:$0x18200] =	vst v63  }
0x42: {  	s7 =	simm.s32 $0xA00  }
0x43: {  	[tilespmem:s7], [sflag:$0x1] =	stream.indirect_vreg.gather [hbm4b:s5+s3], $0x80, v5, vm0, $0xb8;
	[tilespmem:$0x18200] =	vst v63  }
0x44: {  	_ = 	snop  }
0x45: {  	[tilespmem:s11], [sflag:$0x1] =	stream.indirect_vreg.gather [hbm4b:s1+s3], $0x80, v4, vm0, $0xb8;
	[tilespmem:$0x18200] =	vst v63  }
0x46: {  	_ = 	snop  }
0x47: {  	[tilespmem:s13], [sflag:$0x1] =	stream.indirect_vreg.gather [hbm4b:s5+s3], $0x80, v4, vm0, $0xb8;
	[tilespmem:$0x18200] =	vst v63  }
0x48: {  	v4 =	vld [tilespmem:$0x10];
	_ =	sdelay $0x4  }
0x49: {  	v5 =	vshll.u32 v4, $0x2  }
0x4a: {  	v4 =	vand.u32 $0x7, v4;
	v5 =	vand.u32 $0xFFFFFFE0, v5  }
0x4b: {  	v4 =	vor.u32 v4, v5  }
0x4c: {  	v5 =	vperm.xlane v4, v0;
	_ =	sdelay $0x1  }
0x4d: {  	v5 =	vadd.s32 v1, v5;
	_ =	sdelay $0x1  }
0x4e: {  	v4 =	vperm.xlane v4, v2;
	_ =	sdelay $0x1  }
0x4f: {  	v4 =	vadd.s32 v1, v4  }
0x50: {  	[tilespmem:s14], [sflag:$0x2] =	stream.indirect_vreg.gather [hbm4b:s1+s3], $0x80, v5, vm0, $0xb8;
	[tilespmem:$0x18200] =	vst v63  }
0x51: {  	_ = 	snop  }
0x52: {  	[tilespmem:s16], [sflag:$0x2] =	stream.indirect_vreg.gather [hbm4b:s5+s3], $0x80, v5, vm0, $0xb8;
	[tilespmem:$0x18200] =	vst v63  }
0x53: {  	_ = 	snop  }
0x54: {  	[tilespmem:s19], [sflag:$0x2] =	stream.indirect_vreg.gather [hbm4b:s1+s3], $0x80, v4, vm0, $0xb8;
	[tilespmem:$0x18200] =	vst v63  }
0x55: {  	_ = 	snop  }
0x56: {  	[tilespmem:s29], [sflag:$0x2] =	stream.indirect_vreg.gather [hbm4b:s5+s3], $0x80, v4, vm0, $0xb8;
	[tilespmem:$0x18200] =	vst v63  }
0x57: {  	v4 =	vld [tilespmem:$0x20];
	_ =	sdelay $0x4  }
0x58: {  	v5 =	vshll.u32 v4, $0x2  }
0x59: {  	v4 =	vand.u32 $0x7, v4;
	v5 =	vand.u32 $0xFFFFFFE0, v5  }
0x5a: {  	v4 =	vor.u32 v4, v5  }
0x5b: {  	v5 =	vperm.xlane v4, v0;
	_ =	sdelay $0x1  }
0x5c: {  	v5 =	vadd.s32 v1, v5;
	_ =	sdelay $0x1  }
0x5d: {  	v4 =	vperm.xlane v4, v2;
	_ =	sdelay $0x1  }
0x5e: {  	v4 =	vadd.s32 v1, v4  }
0x5f: {  	[tilespmem:s18], [sflag:$0x3] =	stream.indirect_vreg.gather [hbm4b:s1+s3], $0x80, v5, vm0, $0xb8;
	[tilespmem:$0x18200] =	vst v63  }
0x60: {  	_ = 	snop  }
0x61: {  	[tilespmem:s31], [sflag:$0x3] =	stream.indirect_vreg.gather [hbm4b:s5+s3], $0x80, v5, vm0, $0xb8;
	[tilespmem:$0x18200] =	vst v63  }
0x62: {  	s0 =	simm.s32 $0x5200  }
0x63: {  	[tilespmem:s0], [sflag:$0x3] =	stream.indirect_vreg.gather [hbm4b:s1+s3], $0x80, v4, vm0, $0xb8;
	[tilespmem:$0x18200] =	vst v63  }
0x64: {  	_ = 	snop  }
0x65: {  	[tilespmem:s8], [sflag:$0x3] =	stream.indirect_vreg.gather [hbm4b:s5+s3], $0x80, v4, vm0, $0xb8;
	[tilespmem:$0x18200] =	vst v63  }
0x66: {  	v4 =	vld [tilespmem:$0x30];
	_ =	sdelay $0x4  }
0x67: {  	v5 =	vshll.u32 v4, $0x2  }
0x68: {  	v4 =	vand.u32 $0x7, v4;
	v5 =	vand.u32 $0xFFFFFFE0, v5  }
0x69: {  	v4 =	vor.u32 v4, v5  }
0x6a: {  	v5 =	vperm.xlane v4, v0;
	_ =	sdelay $0x1  }
0x6b: {  	v5 =	vadd.s32 v1, v5;
	_ =	sdelay $0x1  }
0x6c: {  	v4 =	vperm.xlane v4, v2;
	_ =	sdelay $0x1  }
0x6d: {  	v4 =	vadd.s32 v1, v4  }
0x6e: {  	[tilespmem:s22], [sflag:$0x4] =	stream.indirect_vreg.gather [hbm4b:s1+s3], $0x80, v5, vm0, $0xb8;
	[tilespmem:$0x18200] =	vst v63  }
0x6f: {  	_ = 	snop  }
0x70: {  	[tilespmem:s12], [sflag:$0x4] =	stream.indirect_vreg.gather [hbm4b:s5+s3], $0x80, v5, vm0, $0xb8;
	[tilespmem:$0x18200] =	vst v63  }
0x71: {  	_ = 	snop  }
0x72: {  	[tilespmem:s15], [sflag:$0x4] =	stream.indirect_vreg.gather [hbm4b:s1+s3], $0x80, v4, vm0, $0xb8;
	[tilespmem:$0x18200] =	vst v63  }
0x73: {  	_ = 	snop  }
0x74: {  	[tilespmem:s17], [sflag:$0x4] =	stream.indirect_vreg.gather [hbm4b:s5+s3], $0x80, v4, vm0, $0xb8;
	[tilespmem:$0x18200] =	vst v63  }
0x75: {  	v4 =	vld [tilespmem:$0x40];
	_ =	sdelay $0x4  }
0x76: {  	v5 =	vshll.u32 v4, $0x2  }
0x77: {  	v4 =	vand.u32 $0x7, v4;
	v5 =	vand.u32 $0xFFFFFFE0, v5  }
0x78: {  	v4 =	vor.u32 v4, v5  }
0x79: {  	v5 =	vperm.xlane v4, v0;
	_ =	sdelay $0x1  }
0x7a: {  	v5 =	vadd.s32 v1, v5;
	_ =	sdelay $0x1  }
0x7b: {  	v4 =	vperm.xlane v4, v2;
	_ =	sdelay $0x1  }
0x7c: {  	s20 =	simm.s32 $0x8200;
	v4 =	vadd.s32 v1, v4  }
0x7d: {  	[tilespmem:s20], [sflag:$0x5] =	stream.indirect_vreg.gather [hbm4b:s1+s3], $0x80, v5, vm0, $0xb8;
	[tilespmem:$0x18200] =	vst v63  }
0x7e: {  	s21 =	rddreg [dreg:$0x16]  }
0x7f: {  	[tilespmem:s21], [sflag:$0x5] =	stream.indirect_vreg.gather [hbm4b:s5+s3], $0x80, v5, vm0, $0xb8;
	[tilespmem:$0x18200] =	vst v63  }
0x80: {  	s26 =	rddreg [dreg:$0x17]  }
0x81: {  	[tilespmem:s26], [sflag:$0x5] =	stream.indirect_vreg.gather [hbm4b:s1+s3], $0x80, v4, vm0, $0xb8;
	[tilespmem:$0x18200] =	vst v63  }
0x82: {  	s21 =	rddreg [dreg:$0x18]  }
0x83: {  	[tilespmem:s21], [sflag:$0x5] =	stream.indirect_vreg.gather [hbm4b:s5+s3], $0x80, v4, vm0, $0xb8;
	[tilespmem:$0x18200] =	vst v63  }
0x84: {  	[tilespmem:$0x100] =	vst v3  }
0x85: {  	[tilespmem:$0x110] =	vst v3  }
0x86: {  	[tilespmem:$0x120] =	vst v3  }
0x87: {  	[tilespmem:$0x130] =	vst v3  }
0x88: {  	[tilespmem:$0x140] =	vst v3  }
0x89: {  	[tilespmem:$0x150] =	vst v3  }
0x8a: {  	[tilespmem:$0x160] =	vst v3  }
0x8b: {  	[tilespmem:$0x170] =	vst v3  }
0x8c: {  	[tilespmem:$0x180] =	vst v3  }
0x8d: {  	[tilespmem:$0x190] =	vst v3  }
0x8e: {  	[tilespmem:$0x1A0] =	vst v3  }
0x8f: {  	[tilespmem:$0x1B0] =	vst v3  }
0x90: {  	[tilespmem:$0x1C0] =	vst v3  }
0x91: {  	[tilespmem:$0x1D0] =	vst v3  }
0x92: {  	s26 =	rddreg [dreg:$0x6];
	[tilespmem:$0x1E0] =	vst v3  }
0x93: {  	s21 =	rddreg [dreg:$0x19];
	[tilespmem:$0x1F0] =	vst v3  }
0x94: {  	[hbm4b:s26+s30] =	stream.strided.scatter [tilespmem:s21], [sflag:s28], $0x100, s2, s30, $0x38;
	[tilespmem:$0x18200] =	vst v63  }
0x95: {  	s30 =	simm.s32 $0x1  }
0x96: {  	_ =	swait.ge [sflag:s30], $0x2000  }
0x97: {  	s21 =	sld [smem:$0x7EE]  }
0x98: {  	[sflag:s30] =	ssyncset.done $0x0  }
0x99: {  	[sflag:s30] =	ssyncadd.s32 $0xFFFFE000  }
0x9a: {  	[hbm4b:s21+s3] =	stream.linear.scatter [tilespmem:s10], [sflag:$0x11], $0x2000, $0x38;
	[tilespmem:$0x18200] =	vst v63  }
0x9b: {  	v4 =	vld [tilespmem:$0x50];
	_ =	sdelay $0x4  }
0x9c: {  	v5 =	vshll.u32 v4, $0x2  }
0x9d: {  	v4 =	vand.u32 $0x7, v4;
	v5 =	vand.u32 $0xFFFFFFE0, v5  }
0x9e: {  	v4 =	vor.u32 v4, v5  }
0x9f: {  	v5 =	vperm.xlane v4, v0;
	_ =	sdelay $0x1  }
0xa0: {  	v5 =	vadd.s32 v1, v5;
	_ =	sdelay $0x1  }
0xa1: {  	v4 =	vperm.xlane v4, v2;
	_ =	sdelay $0x1  }
0xa2: {  	s2 =	simm.s32 $0xA200;
	v4 =	vadd.s32 v1, v4  }
0xa3: {  	[tilespmem:s2], [sflag:$0x6] =	stream.indirect_vreg.gather [hbm4b:s1+s3], $0x80, v5, vm0, $0xb8;
	[tilespmem:$0x18200] =	vst v63  }
0xa4: {  	s26 =	rddreg [dreg:$0x1a]  }
0xa5: {  	[tilespmem:s26], [sflag:$0x6] =	stream.indirect_vreg.gather [hbm4b:s5+s3], $0x80, v5, vm0, $0xb8;
	[tilespmem:$0x18200] =	vst v63  }
0xa6: {  	s30 =	rddreg [dreg:$0x1b]  }
0xa7: {  	[tilespmem:s30], [sflag:$0x6] =	stream.indirect_vreg.gather [hbm4b:s1+s3], $0x80, v4, vm0, $0xb8;
	[tilespmem:$0x18200] =	vst v63  }
0xa8: {  	s25 =	simm.s32 $0x2;
	s21 =	rddreg [dreg:$0x1c]  }
0xa9: {  	[tilespmem:s21], [sflag:$0x6] =	stream.indirect_vreg.gather [hbm4b:s5+s3], $0x80, v4, vm0, $0xb8;
	[tilespmem:$0x18200] =	vst v63  }
0xaa: {  	_ =	swait.ge [sflag:s25], $0x2000  }
0xab: {  	[sflag:s25] =	ssyncset.done $0x0  }
0xac: {  	s30 =	rddreg [dreg:$0x7];
	[sflag:s25] =	ssyncadd.s32 $0xFFFFE000  }
0xad: {  	[hbm4b:s30+s3] =	stream.linear.scatter [tilespmem:s14], [sflag:$0x12], $0x2000, $0x38;
	[tilespmem:$0x18200] =	vst v63  }
0xae: {  	v4 =	vld [tilespmem:$0x60];
	_ =	sdelay $0x4  }
0xaf: {  	v5 =	vshll.u32 v4, $0x2  }
0xb0: {  	v4 =	vand.u32 $0x7, v4;
	v5 =	vand.u32 $0xFFFFFFE0, v5  }
0xb1: {  	v4 =	vor.u32 v4, v5  }
0xb2: {  	v5 =	vperm.xlane v4, v0;
	_ =	sdelay $0x1  }
0xb3: {  	v5 =	vadd.s32 v1, v5;
	_ =	sdelay $0x1  }
0xb4: {  	v4 =	vperm.xlane v4, v2;
	_ =	sdelay $0x1  }
0xb5: {  	s30 =	simm.s32 $0xC200;
	v4 =	vadd.s32 v1, v4  }
0xb6: {  	[tilespmem:s30], [sflag:$0x7] =	stream.indirect_vreg.gather [hbm4b:s1+s3], $0x80, v5, vm0, $0xb8;
	[tilespmem:$0x18200] =	vst v63  }
0xb7: {  	s21 =	rddreg [dreg:$0x1d]  }
0xb8: {  	[tilespmem:s21], [sflag:$0x7] =	stream.indirect_vreg.gather [hbm4b:s5+s3], $0x80, v5, vm0, $0xb8;
	[tilespmem:$0x18200] =	vst v63  }
0xb9: {  	s26 =	rddreg [dreg:$0x1e]  }
0xba: {  	[tilespmem:s26], [sflag:$0x7] =	stream.indirect_vreg.gather [hbm4b:s1+s3], $0x80, v4, vm0, $0xb8;
	[tilespmem:$0x18200] =	vst v63  }
0xbb: {  	s25 =	simm.s32 $0x3;
	s21 =	rddreg [dreg:$0x1f]  }
0xbc: {  	[tilespmem:s21], [sflag:$0x7] =	stream.indirect_vreg.gather [hbm4b:s5+s3], $0x80, v4, vm0, $0xb8;
	[tilespmem:$0x18200] =	vst v63  }
0xbd: {  	_ =	swait.ge [sflag:s25], $0x2000  }
0xbe: {  	[sflag:s25] =	ssyncset.done $0x0  }
0xbf: {  	s21 =	rddreg [dreg:$0x8];
	[sflag:s25] =	ssyncadd.s32 $0xFFFFE000  }
0xc0: {  	[hbm4b:s21+s3] =	stream.linear.scatter [tilespmem:s18], [sflag:$0x13], $0x2000, $0x38;
	[tilespmem:$0x18200] =	vst v63  }
0xc1: {  	v4 =	vld [tilespmem:$0x70];
	_ =	sdelay $0x4  }
0xc2: {  	v5 =	vshll.u32 v4, $0x2  }
0xc3: {  	v4 =	vand.u32 $0x7, v4;
	v5 =	vand.u32 $0xFFFFFFE0, v5  }
0xc4: {  	v4 =	vor.u32 v4, v5  }
0xc5: {  	v5 =	vperm.xlane v4, v0;
	_ =	sdelay $0x1  }
0xc6: {  	v5 =	vadd.s32 v1, v5;
	_ =	sdelay $0x1  }
0xc7: {  	v4 =	vperm.xlane v4, v2;
	_ =	sdelay $0x1  }
0xc8: {  	s25 =	sld [smem:$0x7EF];
	s21 =	simm.s32 $0xE200;
	v4 =	vadd.s32 v1, v4  }
0xc9: {  	[tilespmem:s21], [sflag:$0x8] =	stream.indirect_vreg.gather [hbm4b:s1+s3], $0x80, v5, vm0, $0xb8;
	[tilespmem:$0x18200] =	vst v63  }
0xca: {  	s26 =	sld [smem:$0x7F0]  }
0xcb: {  	[tilespmem:s25], [sflag:$0x8] =	stream.indirect_vreg.gather [hbm4b:s5+s3], $0x80, v5, vm0, $0xb8;
	[tilespmem:$0x18200] =	vst v63  }
0xcc: {  	s25 =	sld [smem:$0x7F1]  }
0xcd: {  	[tilespmem:s26], [sflag:$0x8] =	stream.indirect_vreg.gather [hbm4b:s1+s3], $0x80, v4, vm0, $0xb8;
	[tilespmem:$0x18200] =	vst v63  }
0xce: {  	s26 =	simm.s32 $0x4  }
0xcf: {  	[tilespmem:s25], [sflag:$0x8] =	stream.indirect_vreg.gather [hbm4b:s5+s3], $0x80, v4, vm0, $0xb8;
	[tilespmem:$0x18200] =	vst v63  }
0xd0: {  	_ =	swait.ge [sflag:s26], $0x2000  }
0xd1: {  	[sflag:s26] =	ssyncset.done $0x0  }
0xd2: {  	s25 =	rddreg [dreg:$0x9];
	[sflag:s26] =	ssyncadd.s32 $0xFFFFE000  }
0xd3: {  	[hbm4b:s25+s3] =	stream.linear.scatter [tilespmem:s22], [sflag:$0x14], $0x2000, $0x38;
	[tilespmem:$0x18200] =	vst v63  }
0xd4: {  	v4 =	vld [tilespmem:$0x80];
	_ =	sdelay $0x4  }
0xd5: {  	v5 =	vshll.u32 v4, $0x2  }
0xd6: {  	v4 =	vand.u32 $0x7, v4;
	v5 =	vand.u32 $0xFFFFFFE0, v5  }
0xd7: {  	v4 =	vor.u32 v4, v5  }
0xd8: {  	v5 =	vperm.xlane v4, v0;
	_ =	sdelay $0x1  }
0xd9: {  	v5 =	vadd.s32 v1, v5;
	_ =	sdelay $0x1  }
0xda: {  	v4 =	vperm.xlane v4, v2;
	_ =	sdelay $0x1  }
0xdb: {  	s25 =	sld [smem:$0x7F2];
	v4 =	vadd.s32 v1, v4  }
0xdc: {  	[tilespmem:s23], [sflag:$0x9] =	stream.indirect_vreg.gather [hbm4b:s1+s3], $0x80, v5, vm0, $0xb8;
	[tilespmem:$0x18200] =	vst v63  }
0xdd: {  	s26 =	sld [smem:$0x7F3]  }
0xde: {  	[tilespmem:s25], [sflag:$0x9] =	stream.indirect_vreg.gather [hbm4b:s5+s3], $0x80, v5, vm0, $0xb8;
	[tilespmem:$0x18200] =	vst v63  }
0xdf: {  	s25 =	sld [smem:$0x7F4]  }
0xe0: {  	[tilespmem:s26], [sflag:$0x9] =	stream.indirect_vreg.gather [hbm4b:s1+s3], $0x80, v4, vm0, $0xb8;
	[tilespmem:$0x18200] =	vst v63  }
0xe1: {  	s26 =	simm.s32 $0x5  }
0xe2: {  	[tilespmem:s25], [sflag:$0x9] =	stream.indirect_vreg.gather [hbm4b:s5+s3], $0x80, v4, vm0, $0xb8;
	[tilespmem:$0x18200] =	vst v63  }
0xe3: {  	_ =	swait.ge [sflag:s26], $0x2000  }
0xe4: {  	[sflag:s26] =	ssyncset.done $0x0  }
0xe5: {  	s25 =	rddreg [dreg:$0xa];
	[sflag:s26] =	ssyncadd.s32 $0xFFFFE000  }
0xe6: {  	[hbm4b:s25+s3] =	stream.linear.scatter [tilespmem:s20], [sflag:$0x15], $0x2000, $0x38;
	[tilespmem:$0x18200] =	vst v63  }
0xe7: {  	v4 =	vld [tilespmem:$0x90];
	_ =	sdelay $0x4  }
0xe8: {  	v5 =	vshll.u32 v4, $0x2  }
0xe9: {  	v4 =	vand.u32 $0x7, v4;
	v5 =	vand.u32 $0xFFFFFFE0, v5  }
0xea: {  	v4 =	vor.u32 v4, v5  }
0xeb: {  	v5 =	vperm.xlane v4, v0;
	_ =	sdelay $0x1  }
0xec: {  	v5 =	vadd.s32 v1, v5;
	_ =	sdelay $0x1  }
0xed: {  	v4 =	vperm.xlane v4, v2;
	_ =	sdelay $0x1  }
0xee: {  	s25 =	sld [smem:$0x7F5];
	s20 =	simm.s32 $0x12200;
	v4 =	vadd.s32 v1, v4  }
0xef: {  	[tilespmem:s20], [sflag:$0xA] =	stream.indirect_vreg.gather [hbm4b:s1+s3], $0x80, v5, vm0, $0xb8;
	[tilespmem:$0x18200] =	vst v63  }
0xf0: {  	s26 =	sld [smem:$0x7F6]  }
0xf1: {  	[tilespmem:s25], [sflag:$0xA] =	stream.indirect_vreg.gather [hbm4b:s5+s3], $0x80, v5, vm0, $0xb8;
	[tilespmem:$0x18200] =	vst v63  }
0xf2: {  	s25 =	sld [smem:$0x7F7]  }
0xf3: {  	[tilespmem:s26], [sflag:$0xA] =	stream.indirect_vreg.gather [hbm4b:s1+s3], $0x80, v4, vm0, $0xb8;
	[tilespmem:$0x18200] =	vst v63  }
0xf4: {  	s26 =	simm.s32 $0x6  }
0xf5: {  	[tilespmem:s25], [sflag:$0xA] =	stream.indirect_vreg.gather [hbm4b:s5+s3], $0x80, v4, vm0, $0xb8;
	[tilespmem:$0x18200] =	vst v63  }
0xf6: {  	_ =	swait.ge [sflag:s26], $0x2000  }
0xf7: {  	[sflag:s26] =	ssyncset.done $0x0  }
0xf8: {  	s25 =	rddreg [dreg:$0xb];
	[sflag:s26] =	ssyncadd.s32 $0xFFFFE000  }
0xf9: {  	[hbm4b:s25+s3] =	stream.linear.scatter [tilespmem:s2], [sflag:$0x16], $0x2000, $0x38;
	[tilespmem:$0x18200] =	vst v63  }
0xfa: {  	v4 =	vld [tilespmem:$0xA0];
	_ =	sdelay $0x4  }
0xfb: {  	v5 =	vshll.u32 v4, $0x2  }
0xfc: {  	v4 =	vand.u32 $0x7, v4;
	v5 =	vand.u32 $0xFFFFFFE0, v5  }
0xfd: {  	v4 =	vor.u32 v4, v5  }
0xfe: {  	v5 =	vperm.xlane v4, v0;
	_ =	sdelay $0x1  }
0xff: {  	v5 =	vadd.s32 v1, v5;
	_ =	sdelay $0x1  }
0x100: {  	v4 =	vperm.xlane v4, v2;
	_ =	sdelay $0x1  }
0x101: {  	s25 =	sld [smem:$0x7F8];
	s2 =	simm.s32 $0x14200;
	v4 =	vadd.s32 v1, v4  }
0x102: {  	[tilespmem:s2], [sflag:$0xB] =	stream.indirect_vreg.gather [hbm4b:s1+s3], $0x80, v5, vm0, $0xb8;
	[tilespmem:$0x18200] =	vst v63  }
0x103: {  	s26 =	sld [smem:$0x7F9]  }
0x104: {  	[tilespmem:s25], [sflag:$0xB] =	stream.indirect_vreg.gather [hbm4b:s5+s3], $0x80, v5, vm0, $0xb8;
	[tilespmem:$0x18200] =	vst v63  }
0x105: {  	s25 =	sld [smem:$0x7FA]  }
0x106: {  	[tilespmem:s26], [sflag:$0xB] =	stream.indirect_vreg.gather [hbm4b:s1+s3], $0x80, v4, vm0, $0xb8;
	[tilespmem:$0x18200] =	vst v63  }
0x107: {  	s26 =	simm.s32 $0x7  }
0x108: {  	[tilespmem:s25], [sflag:$0xB] =	stream.indirect_vreg.gather [hbm4b:s5+s3], $0x80, v4, vm0, $0xb8;
	[tilespmem:$0x18200] =	vst v63  }
0x109: {  	_ =	swait.ge [sflag:s26], $0x2000  }
0x10a: {  	[sflag:s26] =	ssyncset.done $0x0  }
0x10b: {  	s25 =	rddreg [dreg:$0xc];
	[sflag:s26] =	ssyncadd.s32 $0xFFFFE000  }
0x10c: {  	[hbm4b:s25+s3] =	stream.linear.scatter [tilespmem:s30], [sflag:$0x17], $0x2000, $0x38;
	[tilespmem:$0x18200] =	vst v63  }
0x10d: {  	v4 =	vld [tilespmem:$0xB0];
	_ =	sdelay $0x4  }
0x10e: {  	v5 =	vshll.u32 v4, $0x2  }
0x10f: {  	v4 =	vand.u32 $0x7, v4;
	v5 =	vand.u32 $0xFFFFFFE0, v5  }
0x110: {  	v4 =	vor.u32 v4, v5  }
0x111: {  	v5 =	vperm.xlane v4, v0;
	_ =	sdelay $0x1  }
0x112: {  	v5 =	vadd.s32 v1, v5;
	_ =	sdelay $0x1  }
0x113: {  	v4 =	vperm.xlane v4, v2;
	_ =	sdelay $0x1  }
0x114: {  	s25 =	sld [smem:$0x7FB];
	s30 =	simm.s32 $0x16200;
	v4 =	vadd.s32 v1, v4  }
0x115: {  	[tilespmem:s30], [sflag:$0xC] =	stream.indirect_vreg.gather [hbm4b:s1+s3], $0x80, v5, vm0, $0xb8;
	[tilespmem:$0x18200] =	vst v63  }
0x116: {  	s26 =	sld [smem:$0x7FC]  }
0x117: {  	[tilespmem:s25], [sflag:$0xC] =	stream.indirect_vreg.gather [hbm4b:s5+s3], $0x80, v5, vm0, $0xb8;
	[tilespmem:$0x18200] =	vst v63  }
0x118: {  	s25 =	sld [smem:$0x7FD]  }
0x119: {  	[tilespmem:s26], [sflag:$0xC] =	stream.indirect_vreg.gather [hbm4b:s1+s3], $0x80, v4, vm0, $0xb8;
	[tilespmem:$0x18200] =	vst v63  }
0x11a: {  	s26 =	simm.s32 $0x8  }
0x11b: {  	[tilespmem:s25], [sflag:$0xC] =	stream.indirect_vreg.gather [hbm4b:s5+s3], $0x80, v4, vm0, $0xb8;
	[tilespmem:$0x18200] =	vst v63  }
0x11c: {  	_ =	swait.ge [sflag:s26], $0x2000  }
0x11d: {  	[sflag:s26] =	ssyncset.done $0x0  }
0x11e: {  	s25 =	rddreg [dreg:$0xd];
	[sflag:s26] =	ssyncadd.s32 $0xFFFFE000  }
0x11f: {  	[hbm4b:s25+s3] =	stream.linear.scatter [tilespmem:s21], [sflag:$0x18], $0x2000, $0x38;
	[tilespmem:$0x18200] =	vst v63  }
0x120: {  	s25 =	simm.s32 $0x11  }
0x121: {  	_ =	swait.ge [sflag:s25], $0x2000  }
0x122: {  	[sflag:s25] =	ssyncset.done $0x0  }
0x123: {  	[sflag:s25] =	ssyncadd.s32 $0xFFFFE000  }
0x124: {  	v4 =	vld [tilespmem:$0xC0];
	_ =	sdelay $0x4  }
0x125: {  	v5 =	vshll.u32 v4, $0x2  }
0x126: {  	v4 =	vand.u32 $0x7, v4;
	v5 =	vand.u32 $0xFFFFFFE0, v5  }
0x127: {  	v4 =	vor.u32 v4, v5  }
0x128: {  	v5 =	vperm.xlane v4, v0;
	_ =	sdelay $0x1  }
0x129: {  	v5 =	vadd.s32 v1, v5;
	_ =	sdelay $0x1  }
0x12a: {  	v4 =	vperm.xlane v4, v2;
	_ =	sdelay $0x1  }
0x12b: {  	v4 =	vadd.s32 v1, v4  }
0x12c: {  	[tilespmem:s10], [sflag:$0xD] =	stream.indirect_vreg.gather [hbm4b:s1+s3], $0x80, v5, vm0, $0xb8;
	[tilespmem:$0x18200] =	vst v63  }
0x12d: {  	_ = 	snop  }
0x12e: {  	[tilespmem:s7], [sflag:$0xD] =	stream.indirect_vreg.gather [hbm4b:s5+s3], $0x80, v5, vm0, $0xb8;
	[tilespmem:$0x18200] =	vst v63  }
0x12f: {  	_ = 	snop  }
0x130: {  	[tilespmem:s11], [sflag:$0xD] =	stream.indirect_vreg.gather [hbm4b:s1+s3], $0x80, v4, vm0, $0xb8;
	[tilespmem:$0x18200] =	vst v63  }
0x131: {  	s26 =	simm.s32 $0x9  }
0x132: {  	[tilespmem:s13], [sflag:$0xD] =	stream.indirect_vreg.gather [hbm4b:s5+s3], $0x80, v4, vm0, $0xb8;
	[tilespmem:$0x18200] =	vst v63  }
0x133: {  	_ =	swait.ge [sflag:s26], $0x2000  }
0x134: {  	[sflag:s26] =	ssyncset.done $0x0  }
0x135: {  	s25 =	simm.s32 $0x12;
	s21 =	rddreg [dreg:$0xe];
	[sflag:s26] =	ssyncadd.s32 $0xFFFFE000  }
0x136: {  	[hbm4b:s21+s3] =	stream.linear.scatter [tilespmem:s23], [sflag:$0x19], $0x2000, $0x38;
	[tilespmem:$0x18200] =	vst v63  }
0x137: {  	_ =	swait.ge [sflag:s25], $0x2000  }
0x138: {  	[sflag:s25] =	ssyncset.done $0x0  }
0x139: {  	[sflag:s25] =	ssyncadd.s32 $0xFFFFE000  }
0x13a: {  	v4 =	vld [tilespmem:$0xD0];
	_ =	sdelay $0x4  }
0x13b: {  	v5 =	vshll.u32 v4, $0x2  }
0x13c: {  	v4 =	vand.u32 $0x7, v4;
	v5 =	vand.u32 $0xFFFFFFE0, v5  }
0x13d: {  	v4 =	vor.u32 v4, v5  }
0x13e: {  	v5 =	vperm.xlane v4, v0;
	_ =	sdelay $0x1  }
0x13f: {  	v5 =	vadd.s32 v1, v5;
	_ =	sdelay $0x1  }
0x140: {  	v4 =	vperm.xlane v4, v2;
	_ =	sdelay $0x1  }
0x141: {  	v4 =	vadd.s32 v1, v4  }
0x142: {  	[tilespmem:s14], [sflag:$0xE] =	stream.indirect_vreg.gather [hbm4b:s1+s3], $0x80, v5, vm0, $0xb8;
	[tilespmem:$0x18200] =	vst v63  }
0x143: {  	_ = 	snop  }
0x144: {  	[tilespmem:s16], [sflag:$0xE] =	stream.indirect_vreg.gather [hbm4b:s5+s3], $0x80, v5, vm0, $0xb8;
	[tilespmem:$0x18200] =	vst v63  }
0x145: {  	_ = 	snop  }
0x146: {  	[tilespmem:s19], [sflag:$0xE] =	stream.indirect_vreg.gather [hbm4b:s1+s3], $0x80, v4, vm0, $0xb8;
	[tilespmem:$0x18200] =	vst v63  }
0x147: {  	s26 =	simm.s32 $0xA  }
0x148: {  	[tilespmem:s29], [sflag:$0xE] =	stream.indirect_vreg.gather [hbm4b:s5+s3], $0x80, v4, vm0, $0xb8;
	[tilespmem:$0x18200] =	vst v63  }
0x149: {  	_ =	swait.ge [sflag:s26], $0x2000  }
0x14a: {  	[sflag:s26] =	ssyncset.done $0x0  }
0x14b: {  	s21 =	rddreg [dreg:$0xf];
	[sflag:s26] =	ssyncadd.s32 $0xFFFFE000;
	s26 =	simm.s32 $0x13  }
0x14c: {  	[hbm4b:s21+s3] =	stream.linear.scatter [tilespmem:s20], [sflag:$0x1A], $0x2000, $0x38;
	[tilespmem:$0x18200] =	vst v63  }
0x14d: {  	_ =	swait.ge [sflag:s26], $0x2000  }
0x14e: {  	[sflag:s26] =	ssyncset.done $0x0  }
0x14f: {  	[sflag:s26] =	ssyncadd.s32 $0xFFFFE000  }
0x150: {  	v4 =	vld [tilespmem:$0xE0];
	_ =	sdelay $0x4  }
0x151: {  	v5 =	vshll.u32 v4, $0x2  }
0x152: {  	v4 =	vand.u32 $0x7, v4;
	v5 =	vand.u32 $0xFFFFFFE0, v5  }
0x153: {  	v4 =	vor.u32 v4, v5  }
0x154: {  	v5 =	vperm.xlane v4, v0;
	_ =	sdelay $0x1  }
0x155: {  	v5 =	vadd.s32 v1, v5;
	_ =	sdelay $0x1  }
0x156: {  	v4 =	vperm.xlane v4, v2;
	_ =	sdelay $0x1  }
0x157: {  	v4 =	vadd.s32 v1, v4  }
0x158: {  	[tilespmem:s18], [sflag:$0xF] =	stream.indirect_vreg.gather [hbm4b:s1+s3], $0x80, v5, vm0, $0xb8;
	[tilespmem:$0x18200] =	vst v63  }
0x159: {  	_ = 	snop  }
0x15a: {  	[tilespmem:s31], [sflag:$0xF] =	stream.indirect_vreg.gather [hbm4b:s5+s3], $0x80, v5, vm0, $0xb8;
	[tilespmem:$0x18200] =	vst v63  }
0x15b: {  	_ = 	snop  }
0x15c: {  	[tilespmem:s0], [sflag:$0xF] =	stream.indirect_vreg.gather [hbm4b:s1+s3], $0x80, v4, vm0, $0xb8;
	[tilespmem:$0x18200] =	vst v63  }
0x15d: {  	s20 =	simm.s32 $0xB  }
0x15e: {  	[tilespmem:s8], [sflag:$0xF] =	stream.indirect_vreg.gather [hbm4b:s5+s3], $0x80, v4, vm0, $0xb8;
	[tilespmem:$0x18200] =	vst v63  }
0x15f: {  	_ =	swait.ge [sflag:s20], $0x2000  }
0x160: {  	[sflag:s20] =	ssyncset.done $0x0  }
0x161: {  	s26 =	simm.s32 $0x14;
	s21 =	rddreg [dreg:$0x10];
	[sflag:s20] =	ssyncadd.s32 $0xFFFFE000  }
0x162: {  	[hbm4b:s21+s3] =	stream.linear.scatter [tilespmem:s2], [sflag:$0x1B], $0x2000, $0x38;
	[tilespmem:$0x18200] =	vst v63  }
0x163: {  	_ =	swait.ge [sflag:s26], $0x2000  }
0x164: {  	[sflag:s26] =	ssyncset.done $0x0  }
0x165: {  	[sflag:s26] =	ssyncadd.s32 $0xFFFFE000  }
0x166: {  	v4 =	vld [tilespmem:$0xF0];
	_ =	sdelay $0x4  }
0x167: {  	v5 =	vshll.u32 v4, $0x2  }
0x168: {  	v4 =	vand.u32 $0x7, v4;
	v5 =	vand.u32 $0xFFFFFFE0, v5  }
0x169: {  	v4 =	vor.u32 v4, v5  }
0x16a: {  	v5 =	vperm.xlane v4, v0;
	_ =	sdelay $0x1  }
0x16b: {  	v5 =	vadd.s32 v1, v5;
	_ =	sdelay $0x1  }
0x16c: {  	v4 =	vperm.xlane v4, v2;
	_ =	sdelay $0x1  }
0x16d: {  	v4 =	vadd.s32 v1, v4  }
0x16e: {  	[tilespmem:s22], [sflag:$0x10] =	stream.indirect_vreg.gather [hbm4b:s1+s3], $0x80, v5, vm0, $0xb8;
	[tilespmem:$0x18200] =	vst v63  }
0x16f: {  	_ = 	snop  }
0x170: {  	[tilespmem:s12], [sflag:$0x10] =	stream.indirect_vreg.gather [hbm4b:s5+s3], $0x80, v5, vm0, $0xb8;
	[tilespmem:$0x18200] =	vst v63  }
0x171: {  	_ = 	snop  }
0x172: {  	[tilespmem:s15], [sflag:$0x10] =	stream.indirect_vreg.gather [hbm4b:s1+s3], $0x80, v4, vm0, $0xb8;
	[tilespmem:$0x18200] =	vst v63  }
0x173: {  	s2 =	simm.s32 $0xC  }
0x174: {  	[tilespmem:s17], [sflag:$0x10] =	stream.indirect_vreg.gather [hbm4b:s5+s3], $0x80, v4, vm0, $0xb8;
	[tilespmem:$0x18200] =	vst v63  }
0x175: {  	_ =	swait.ge [sflag:s2], $0x2000  }
0x176: {  	[sflag:s2] =	ssyncset.done $0x0  }
0x177: {  	s20 =	simm.s32 $0xD;
	s7 =	rddreg [dreg:$0x11];
	[sflag:s2] =	ssyncadd.s32 $0xFFFFE000  }
0x178: {  	[hbm4b:s7+s3] =	stream.linear.scatter [tilespmem:s30], [sflag:$0x1C], $0x2000, $0x38;
	[tilespmem:$0x18200] =	vst v63  }
0x179: {  	_ =	swait.ge [sflag:s20], $0x2000  }
0x17a: {  	[sflag:s20] =	ssyncset.done $0x0  }
0x17b: {  	s26 =	simm.s32 $0xE;
	s21 =	rddreg [dreg:$0x12];
	[sflag:s20] =	ssyncadd.s32 $0xFFFFE000  }
0x17c: {  	[hbm4b:s21+s3] =	stream.linear.scatter [tilespmem:s10], [sflag:$0x1D], $0x2000, $0x38;
	[tilespmem:$0x18200] =	vst v63  }
0x17d: {  	_ =	swait.ge [sflag:s26], $0x2000  }
0x17e: {  	[sflag:s26] =	ssyncset.done $0x0  }
0x17f: {  	s2 =	simm.s32 $0xF;
	s30 =	rddreg [dreg:$0x13];
	[sflag:s26] =	ssyncadd.s32 $0xFFFFE000  }
0x180: {  	[hbm4b:s30+s3] =	stream.linear.scatter [tilespmem:s14], [sflag:$0x1E], $0x2000, $0x38;
	[tilespmem:$0x18200] =	vst v63  }
0x181: {  	_ =	swait.ge [sflag:s2], $0x2000  }
0x182: {  	[sflag:s2] =	ssyncset.done $0x0  }
0x183: {  	s20 =	simm.s32 $0x10;
	s7 =	rddreg [dreg:$0x14];
	[sflag:s2] =	ssyncadd.s32 $0xFFFFE000  }
0x184: {  	[hbm4b:s7+s3] =	stream.linear.scatter [tilespmem:s18], [sflag:$0x1F], $0x2000, $0x38;
	[tilespmem:$0x18200] =	vst v63  }
0x185: {  	_ =	swait.ge [sflag:s20], $0x2000  }
0x186: {  	[sflag:s20] =	ssyncset.done $0x0  }
0x187: {  	s25 =	simm.s32 $0x15;
	s21 =	rddreg [dreg:$0x15];
	[sflag:s20] =	ssyncadd.s32 $0xFFFFE000  }
0x188: {  	[hbm4b:s21+s3] =	stream.linear.scatter [tilespmem:s22], [sflag:s4], $0x2000, $0x38;
	[tilespmem:$0x18200] =	vst v63  }
0x189: {  	_ =	swait.ge [sflag:s25], $0x2000  }
0x18a: {  	[sflag:s25] =	ssyncset.done $0x0  }
0x18b: {  	s26 =	simm.s32 $0x16;
	[sflag:s25] =	ssyncadd.s32 $0xFFFFE000  }
0x18c: {  	_ =	swait.ge [sflag:s26], $0x2000  }
0x18d: {  	[sflag:s26] =	ssyncset.done $0x0  }
0x18e: {  	s30 =	simm.s32 $0x17;
	[sflag:s26] =	ssyncadd.s32 $0xFFFFE000  }
0x18f: {  	_ =	swait.ge [sflag:s30], $0x2000  }
0x190: {  	[sflag:s30] =	ssyncset.done $0x0  }
0x191: {  	s2 =	simm.s32 $0x18;
	[sflag:s30] =	ssyncadd.s32 $0xFFFFE000  }
0x192: {  	_ =	swait.ge [sflag:s2], $0x2000  }
0x193: {  	[sflag:s2] =	ssyncset.done $0x0  }
0x194: {  	s7 =	simm.s32 $0x19;
	[sflag:s2] =	ssyncadd.s32 $0xFFFFE000  }
0x195: {  	_ =	swait.ge [sflag:s7], $0x2000  }
0x196: {  	[sflag:s7] =	ssyncset.done $0x0  }
0x197: {  	s20 =	simm.s32 $0x1A;
	[sflag:s7] =	ssyncadd.s32 $0xFFFFE000  }
0x198: {  	_ =	swait.ge [sflag:s20], $0x2000  }
0x199: {  	[sflag:s20] =	ssyncset.done $0x0  }
0x19a: {  	s21 =	simm.s32 $0x1B;
	[sflag:s20] =	ssyncadd.s32 $0xFFFFE000  }
0x19b: {  	_ =	swait.ge [sflag:s21], $0x2000  }
0x19c: {  	[sflag:s21] =	ssyncset.done $0x0  }
0x19d: {  	s25 =	simm.s32 $0x1C;
	[sflag:s21] =	ssyncadd.s32 $0xFFFFE000  }
0x19e: {  	_ =	swait.ge [sflag:s25], $0x2000  }
0x19f: {  	[sflag:s25] =	ssyncset.done $0x0  }
0x1a0: {  	s26 =	simm.s32 $0x1D;
	[sflag:s25] =	ssyncadd.s32 $0xFFFFE000  }
0x1a1: {  	_ =	swait.ge [sflag:s26], $0x2000  }
0x1a2: {  	[sflag:s26] =	ssyncset.done $0x0  }
0x1a3: {  	s30 =	simm.s32 $0x1E;
	[sflag:s26] =	ssyncadd.s32 $0xFFFFE000  }
0x1a4: {  	_ =	swait.ge [sflag:s30], $0x2000  }
0x1a5: {  	[sflag:s30] =	ssyncset.done $0x0  }
0x1a6: {  	[sflag:s30] =	ssyncadd.s32 $0xFFFFE000  }
0x1a7: {  	_ =	swait.ge [sflag:s24], $0x2000  }
0x1a8: {  	[sflag:s24] =	ssyncset.done $0x0  }
0x1a9: {  	[sflag:s24] =	ssyncadd.s32 $0xFFFFE000  }
0x1aa: {  	p0 =	sne.s32 s6, $0x1;
	_ =	swait.ge [sflag:s4], $0x2000  }
.Ltmp0:
0x1ab: {  	[sflag:s4] =	ssyncset.done $0x0;
	(pc) =	sbr.rel @p0 .LBB2_1-.Ltmp0, $4  }
0x1ac: {  	[sflag:s4] =	ssyncadd.s32 $0xFFFFE000  }
0x1ad: {  	_ =	swait.ge [sflag:s28], $0x100  }
0x1ae: {  	[sflag:s28] =	ssyncset.done $0x0  }
0x1af: {  	s6 =	sadd.s32 $0xFFFFFFFF, s6;
	[sflag:s28] =	ssyncadd.s32 $0xFFFFFF00  }
0x1b0: {  	_ =	sfence.sel $0x180000  }
0x1b1: {  	[bflag:$0x0] =	sbarrier.arrive $0xFFFF  }
0x1b2: {  	_ =	strace $0x90000047  }
0x1b3: {  	s0 =	stileid.u32;
	[bflag:$0x2] =	sbarrier.arrive $0xFFFF  }
0x1b4: {  	p0 =	sne.s32 s0, $0x0;
	s0 =	rddreg [dreg:$0x4]  }
0x1b5: {  	s0 =	sadd.s32 @!p0 $0x100000, s0  }
0x1b6: {  	[sflag:s0] =	ssyncadd.tile.s32 @!p0 $0x1;
	_ =	shalt  }
.Lfunc_end2:
_tile_overlayer_lowered:
.L_overlay_start_2:
0x1b7: {  	(tag) =	ssettag $0x2  }
0x1b8: {  	s0 =	rddreg [dreg:$0x0];
	s2 =	stileid.u32  }
0x1b9: {  	s1 =	rddreg [dreg:$0x1];
	p0 =	sne.s32 s2, $0x0  }
0x1ba: {  	s3 =	rddreg [dreg:$0x2];
	[bflag:$0x3] =	sbarrier.arrive $0xFFFF;
	s2 =	simm.s32 @!p0 $0x1C22  }
0x1bb: {  	[timem:s3], [sflag:s2] =	dma.local @!p0 [hbm:s0], s1  }
0x1bc: {  	s0 =	simm.s32 @!p0 $0x22  }
0x1bd: {  	_ =	swait.ge @!p0 [sflag:s0], s1  }
0x1be: {  	s1 =	ssub.s32 @!p0 $0x0, s1;
	[sflag:s0] =	ssyncset.done @!p0 $0x0  }
0x1bf: {  	[sflag:s0] =	ssyncadd.s32 @!p0 s1  }
0x1c0: {  	[bflag:$0x3] =	sbarrier.arrive $0xFFFF  }
0x1c1: {  	_ =	shalt  }

</sc_bundles>
